<compile_context>
chip_gen: v7x
topology: tpu7x:2x2x1
jax: 0.10.2.dev20260603
libtpu: 0.0.44.dev20260713+nightly
codegen_flags: <defaults>
</compile_context>

<pallas_src>
import functools

import jax
import jax.numpy as jnp
from jax import lax
from jax.experimental import pallas as pl
from jax.experimental.pallas import tpu as pltpu
from jax.experimental.pallas import tpu_sc as plsc

NC = 2
NS = 16
L = 16
CB = 256
NB = CB // 128


def _proj_body(x_ref, wt_ref, b_ref, aall_ref, h_ref, h2_ref, a_ref):
    h = jnp.dot(x_ref[...], wt_ref[...], preferred_element_type=jnp.float32)
    h = h + b_ref[...]
    h_ref[...] = h
    hw = h.shape[-1] // 2
    h2_ref[0] = h[:, :hw]
    h2_ref[1] = h[:, hw:]
    a_ref[...] = jnp.dot(h, aall_ref[...], preferred_element_type=jnp.float32)


def _fin_body(u_ref, asum_ref, h_ref, r_ref, o_ref):
    u = jnp.concatenate([u_ref[0], u_ref[1]], axis=-1)
    a8 = (asum_ref[0] + asum_ref[1])[:, :8]
    rec = 1.0 / jnp.where(a8 > 0.0, a8, 1.0)
    o_ref[...] = u * jnp.dot(rec, r_ref[...],
                             preferred_element_type=jnp.float32) + h_ref[...]


def _make_sc_kernel(N, E, K, H, HD):
    HW = HD // NC
    HH = H // NC
    D = HD // H
    RT = (N // NS) & ~7
    TAIL = N - NS * RT
    TSTART = NS * RT
    mesh = plsc.VectorSubcoreMesh(core_axis_name="c", subcore_axis_name="s",
                                  num_cores=NC, num_subcores=NS)

    @functools.partial(
        pl.kernel,
        mesh=mesh,
        out_type=(
            jax.ShapeDtypeStruct((NC, N, HW), jnp.float32),
            jax.ShapeDtypeStruct((NC, N, 2 * H), jnp.float32),
        ),
        scratch_types=[
            pltpu.VMEM((2, CB), jnp.int32),
            pltpu.VMEM((2, CB), jnp.int32),
            pltpu.VMEM((CB, 2 * H), jnp.float32),
            pltpu.VMEM((CB, 2 * H), jnp.float32),
            pltpu.VMEM((CB, 2 * H), jnp.float32),
            pltpu.VMEM((CB, 2 * H), jnp.float32),
            pltpu.VMEM((CB, 2 * H), jnp.float32),
            pltpu.VMEM((CB, 2 * H), jnp.float32),
            pltpu.VMEM((CB, HW), jnp.float32),
            pltpu.VMEM((CB, HW), jnp.float32),
            pltpu.VMEM((CB, HW), jnp.float32),
            pltpu.VMEM_SHARED((N, HW), jnp.float32),
            pltpu.VMEM_SHARED((N, 2 * H), jnp.float32),
            pltpu.SemaphoreType.DMA,
            pltpu.SemaphoreType.DMA,
            pltpu.SemaphoreType.DMA,
            pltpu.SemaphoreType.DMA,
            pltpu.SemaphoreType.DMA,
            pltpu.SemaphoreType.DMA,
        ],
        compiler_params=pltpu.CompilerParams(needs_layout_passes=False,
                                             use_tc_tiling_on_sc=False),
    )
    def sc_kernel(e2_hbm, a_hbm, h2_hbm, zu_hbm, za_hbm,
                  u_out, a_out,
                  idx_a, idx_b, sl_a, sl_b, sr_a, sr_b, pb_a, pb_b,
                  hb_a, hb_b, mb, s_u, s_a,
                  ga0, ga1, ga2, gb0, gb1, gb2):
        cid = lax.axis_index("c")
        sid = lax.axis_index("s")
        is0 = cid == 0

        base = sid * RT
        pltpu.sync_copy(zu_hbm.at[pl.ds(base, RT)], s_u.at[pl.ds(base, RT)])
        pltpu.sync_copy(za_hbm.at[pl.ds(base, RT)], s_a.at[pl.ds(base, RT)])
        if TAIL:
            @pl.when(sid == 0)
            def _tail_in():
                pltpu.sync_copy(zu_hbm.at[pl.ds(TSTART, TAIL)],
                                s_u.at[pl.ds(TSTART, TAIL)])
                pltpu.sync_copy(za_hbm.at[pl.ds(TSTART, TAIL)],
                                s_a.at[pl.ds(TSTART, TAIL)])

        htab = h2_hbm.at[cid]

        plsc.subcore_barrier()

        iota16 = lax.iota(jnp.int32, L)

        def issue(idx, sl, sr, hb, s0, s1, s2, c):
            pltpu.sync_copy(e2_hbm.at[sid, c], idx)
            pltpu.async_copy(a_hbm.at[idx.at[0]], sl, s0)
            pltpu.async_copy(a_hbm.at[idx.at[1]], sr, s1)
            pltpu.async_copy(htab.at[idx.at[1]], hb, s2)

        def drain(idx, sl, sr, hb, s0, s1, s2):
            pltpu.make_async_copy(a_hbm.at[idx.at[0]], sl, s0).wait()
            pltpu.make_async_copy(a_hbm.at[idx.at[1]], sr, s1).wait()
            pltpu.make_async_copy(htab.at[idx.at[1]], hb, s2).wait()

        def compute(sl, sr, pbuf, hb, c):
            ebase = (sid * K + c) * CB
            i16 = iota16
            rot8 = (i16 + 8) & 15
            r4 = (i16 & 8) | ((i16 + 4) & 7)
            r2 = (i16 & 8) | ((i16 + 2) & 7)
            r1 = (i16 & 8) | ((i16 + 1) & 7)
            low8 = i16 < 8
            dnums = lax.GatherDimensionNumbers(
                offset_dims=(), collapsed_slice_dims=(0,),
                start_index_map=(0,))

            def perm(v, idx):
                return lax.gather(
                    v, idx[:, None], dnums, (1,),
                    mode=lax.GatherScatterMode.PROMISE_IN_BOUNDS)

            splats = [jnp.full((L,), cid * HH + hh, jnp.int32)
                      for hh in range(HH)]

            pass

        def scatter(idx, pbuf, c):
            @pl.when(jnp.logical_xor(is0, c >= K // 2))
            def _acc_p():
                pltpu.sync_copy(pbuf, s_a.at[idx.at[0]], add=True)
            pltpu.sync_copy(mb, s_u.at[idx.at[0]], add=True)

        issue(idx_a, sl_a, sr_a, hb_a, ga0, ga1, ga2, 0)

        def _pair(i, carry):
            c0 = 2 * i
            issue(idx_b, sl_b, sr_b, hb_b, gb0, gb1, gb2, c0 + 1)
            drain(idx_a, sl_a, sr_a, hb_a, ga0, ga1, ga2)
            compute(sl_a, sr_a, pb_a, hb_a, c0)
            scatter(idx_a, pb_a, c0)

            @pl.when(c0 + 2 < K)
            def _next():
                issue(idx_a, sl_a, sr_a, hb_a, ga0, ga1, ga2, c0 + 2)
            drain(idx_b, sl_b, sr_b, hb_b, gb0, gb1, gb2)
            compute(sl_b, sr_b, pb_b, hb_b, c0 + 1)
            scatter(idx_b, pb_b, c0 + 1)
            return carry

        lax.fori_loop(0, K // 2, _pair, 0)

        plsc.subcore_barrier()

        pltpu.sync_copy(s_u.at[pl.ds(base, RT)],
                        u_out.at[cid, pl.ds(base, RT)])
        pltpu.sync_copy(s_a.at[pl.ds(base, RT)],
                        a_out.at[cid, pl.ds(base, RT)])
        if TAIL:
            @pl.when(sid == 0)
            def _tail_out():
                pltpu.sync_copy(s_u.at[pl.ds(TSTART, TAIL)],
                                u_out.at[cid, pl.ds(TSTART, TAIL)])
                pltpu.sync_copy(s_a.at[pl.ds(TSTART, TAIL)],
                                a_out.at[cid, pl.ds(TSTART, TAIL)])

    return sc_kernel


@jax.jit
def kernel(x, edge_index, W, b, a_l, a_r):
    N, D_IN = x.shape
    HD = W.shape[0]
    H = a_l.shape[1]
    D = a_l.shape[2]
    E = edge_index.shape[1]

    eyeH = jnp.eye(H, dtype=jnp.float32)
    AL = (a_l[0][:, :, None] * eyeH[:, None, :]).reshape(HD, H)
    AR = (a_r[0][:, :, None] * eyeH[:, None, :]).reshape(HD, H)
    AAll = jnp.concatenate([AL, AR], axis=1)

    h, h2, A = pl.pallas_call(
        _proj_body,
        out_shape=(
            jax.ShapeDtypeStruct((N, HD), jnp.float32),
            jax.ShapeDtypeStruct((NC, N, HD // NC), jnp.float32),
            jax.ShapeDtypeStruct((N, 2 * H), jnp.float32),
        ),
    )(x, W.T, b[None, :], AAll)

    K = -(-E // (NS * CB))
    K += K % 2
    E_pad = NS * K * CB
    pad = E_pad - E
    src = jnp.concatenate([edge_index[0], jnp.zeros((pad,), jnp.int32)])
    dst = jnp.concatenate([edge_index[1], jnp.zeros((pad,), jnp.int32)])
    e2 = jnp.stack([src.reshape(NS, K, CB),
                    dst.reshape(NS, K, CB)], axis=2)

    zu = jnp.zeros((N, HD // NC), jnp.float32)
    za = jnp.zeros((N, 2 * H), jnp.float32)

    sc_kernel = _make_sc_kernel(N, E, K, H, HD)
    u_part, a_part = sc_kernel(e2, A, h2, zu, za)

    R = jnp.repeat(jnp.eye(H, dtype=jnp.float32), D, axis=1)

    out = pl.pallas_call(
        _fin_body,
        out_shape=jax.ShapeDtypeStruct((N, HD), jnp.float32),
    )(u_part, a_part, h, R)
    return out

# --- scband reference (transcript-rebuilt; emitter-appended) ---
"""Pipeline reference for scband-gatlayer-33586644255249 (READ-ONLY COPY).

The authoritative reference and input builder live on the scoring server;
editing this copy changes nothing except your own understanding.
"""

import jax, jax.numpy as jnp
import numpy as np

N = 10000
E = 320000
D_IN = 128
H = 8
D = 16  # out_dim per head = output_dim // n_heads = 128 // 8


def setup_inputs(seed: int = 0) -> dict:
    key = jax.random.key(seed)
    k1, k2, k3, k4, k5 = jax.random.split(key, 5)
    x = jax.random.normal(k1, (N, D_IN), dtype=jnp.float32)
    edge_index = jax.random.randint(k2, (2, E), 0, N, dtype=jnp.int32)
    # nn.Linear(in_dim, heads*out_dim): weight [H*D, D_IN], bias [H*D]
    W = jax.random.normal(k3, (H * D, D_IN), dtype=jnp.float32) * (1.0 / np.sqrt(D_IN))
    b = jnp.zeros((H * D,), dtype=jnp.float32)
    a_l = jax.random.normal(k4, (1, H, D), dtype=jnp.float32) * 0.1
    a_r = jax.random.normal(k5, (1, H, D), dtype=jnp.float32) * 0.1
    return {"x": x, "edge_index": edge_index, "W": W, "b": b, "a_l": a_l, "a_r": a_r}


def reference(x, edge_index, W, b, a_l, a_r):
    # h = self.W(x).view(-1, H, D)
    h = (x @ W.T + b).reshape(-1, H, D)
    alpha_l = (h * a_l).sum(-1)  # [N, H]
    alpha_r = (h * a_r).sum(-1)  # [N, H]
    src = edge_index[0]
    dst = edge_index[1]
    alpha = alpha_l[src] + alpha_r[dst]              # gather [E, H]
    alpha = jax.nn.leaky_relu(alpha, negative_slope=0.2)
    # note: faithful to original (per-edge max across heads, not per-node softmax max)
    alpha = alpha - jnp.max(alpha, axis=1, keepdims=True)
    alpha = jnp.exp(alpha)
    alpha_sum = jax.ops.segment_sum(alpha, src, num_segments=N)  # scatter-add [N, H]
    alpha = alpha / alpha_sum[src]
    msgs = (h[dst] * alpha[..., None]).reshape(-1, H * D)        # gather + weight [E, H*D]
    out = jax.ops.segment_sum(msgs, src, num_segments=N)         # scatter-add [N, H*D]
    out = out + h.reshape(-1, H * D)
    return out

if __name__ == "__main__":
    import jax
    _d = setup_inputs()
    print(jax.jit(kernel)(*tuple(_d.values())))

</pallas_src>

<mosaic_0001>
#map = affine_map<(d0, d1) -> (0, 0, 0, 0)>
#map1 = affine_map<(d0, d1) -> (0, 0)>
#map2 = affine_map<(d0, d1) -> (0, 0, 0)>
module attributes {stable_mosaic.version = 14 : i64} {
  func.func @sc_kernel(%arg0: i32, %arg1: i32, %arg2: memref<16x80x2x256xi32, #tpu.memory_space<hbm>>, %arg3: memref<10000x16xf32, #tpu.memory_space<hbm>>, %arg4: memref<2x10000x64xf32, #tpu.memory_space<hbm>>, %arg5: memref<10000x64xf32, #tpu.memory_space<hbm>>, %arg6: memref<10000x16xf32, #tpu.memory_space<hbm>>, %arg7: memref<2x10000x64xf32, #tpu.memory_space<hbm>>, %arg8: memref<2x10000x16xf32, #tpu.memory_space<hbm>>, %arg9: memref<2x256xi32, #tpu.memory_space<vmem>>, %arg10: memref<2x256xi32, #tpu.memory_space<vmem>>, %arg11: memref<256x16xf32, #tpu.memory_space<vmem>>, %arg12: memref<256x16xf32, #tpu.memory_space<vmem>>, %arg13: memref<256x16xf32, #tpu.memory_space<vmem>>, %arg14: memref<256x16xf32, #tpu.memory_space<vmem>>, %arg15: memref<256x16xf32, #tpu.memory_space<vmem>>, %arg16: memref<256x16xf32, #tpu.memory_space<vmem>>, %arg17: memref<256x64xf32, #tpu.memory_space<vmem>>, %arg18: memref<256x64xf32, #tpu.memory_space<vmem>>, %arg19: memref<256x64xf32, #tpu.memory_space<vmem>>, %arg20: memref<10000x64xf32, #tpu.memory_space<vmem_shared>>, %arg21: memref<10000x16xf32, #tpu.memory_space<vmem_shared>>, %arg22: memref<!tpu.dma_semaphore, #tpu.memory_space<semaphore_mem>>, %arg23: memref<!tpu.dma_semaphore, #tpu.memory_space<semaphore_mem>>, %arg24: memref<!tpu.dma_semaphore, #tpu.memory_space<semaphore_mem>>, %arg25: memref<!tpu.dma_semaphore, #tpu.memory_space<semaphore_mem>>, %arg26: memref<!tpu.dma_semaphore, #tpu.memory_space<semaphore_mem>>, %arg27: memref<!tpu.dma_semaphore, #tpu.memory_space<semaphore_mem>>) attributes {dimension_semantics = [#tpu.dimension_semantics<core_parallel>, #tpu.dimension_semantics<subcore_parallel>], iteration_bounds = array<i64: 2, 16>, scalar_prefetch = 0 : i64, scratch_operands = 19 : i64, tpu.core_type = #tpu.core_type<sc_vector_subcore>, window_params = [{transform_indices = #map}, {transform_indices = #map1}, {transform_indices = #map2}, {transform_indices = #map1}, {transform_indices = #map1}, {transform_indices = #map2}, {transform_indices = #map2}]} {
    %eq3A = arith.constant 0 : i32
    %eq3A_0 = arith.cmpi eq, %arg0, %eq3A : i32
    %mul3A = arith.constant 624 : i32
    %mul3A_1 = arith.muli %arg1, %mul3A : i32
    "tpu.region"() ({
      %run_scoped3A_40 = tpu.sem_alloc : memref<!tpu.dma_semaphore, #tpu.memory_space<semaphore_mem>>
      %dma_start3A_41 = arith.constant 0 : i32
      %dma_start3A_42 = tpu.memref_slice %arg20[%mul3A_1, %dma_start3A_41] : memref<10000x64xf32, #tpu.memory_space<vmem_shared>> -> memref<624x64xf32, #tpu.memory_space<vmem_shared>>
      %dma_start3A_43 = arith.constant 0 : i32
      %dma_start3A_44 = tpu.memref_slice %arg5[%mul3A_1, %dma_start3A_43] : memref<10000x64xf32, #tpu.memory_space<hbm>> -> memref<624x64xf32, #tpu.memory_space<hbm>>
      tpu.enqueue_dma source(%dma_start3A_44 : memref<624x64xf32, #tpu.memory_space<hbm>>) target(%dma_start3A_42 : memref<624x64xf32, #tpu.memory_space<vmem_shared>>) target_semaphore(%run_scoped3A_40 : memref<!tpu.dma_semaphore, #tpu.memory_space<semaphore_mem>>)
      %dma_wait3A = arith.constant 0 : i32
      %dma_wait3A_45 = tpu.memref_slice %arg20[%mul3A_1, %dma_wait3A] : memref<10000x64xf32, #tpu.memory_space<vmem_shared>> -> memref<624x64xf32, #tpu.memory_space<vmem_shared>>
      %dma_wait3A_46 = arith.constant 0 : i32
      %dma_wait3A_47 = tpu.memref_slice %arg5[%mul3A_1, %dma_wait3A_46] : memref<10000x64xf32, #tpu.memory_space<hbm>> -> memref<624x64xf32, #tpu.memory_space<hbm>>
      tpu.wait_dma2 semaphore(%run_scoped3A_40 : memref<!tpu.dma_semaphore, #tpu.memory_space<semaphore_mem>>) src(%dma_wait3A_47 : memref<624x64xf32, #tpu.memory_space<hbm>>) dst(%dma_wait3A_45 : memref<624x64xf32, #tpu.memory_space<vmem_shared>>)
      tpu.yield
    }) : () -> ()
    "tpu.region"() ({
      %run_scoped3A_40 = tpu.sem_alloc : memref<!tpu.dma_semaphore, #tpu.memory_space<semaphore_mem>>
      %dma_start3A_41 = arith.constant 0 : i32
      %dma_start3A_42 = tpu.memref_slice %arg21[%mul3A_1, %dma_start3A_41] : memref<10000x16xf32, #tpu.memory_space<vmem_shared>> -> memref<624x16xf32, #tpu.memory_space<vmem_shared>>
      %dma_start3A_43 = arith.constant 0 : i32
      %dma_start3A_44 = tpu.memref_slice %arg6[%mul3A_1, %dma_start3A_43] : memref<10000x16xf32, #tpu.memory_space<hbm>> -> memref<624x16xf32, #tpu.memory_space<hbm>>
      tpu.enqueue_dma source(%dma_start3A_44 : memref<624x16xf32, #tpu.memory_space<hbm>>) target(%dma_start3A_42 : memref<624x16xf32, #tpu.memory_space<vmem_shared>>) target_semaphore(%run_scoped3A_40 : memref<!tpu.dma_semaphore, #tpu.memory_space<semaphore_mem>>)
      %dma_wait3A = arith.constant 0 : i32
      %dma_wait3A_45 = tpu.memref_slice %arg21[%mul3A_1, %dma_wait3A] : memref<10000x16xf32, #tpu.memory_space<vmem_shared>> -> memref<624x16xf32, #tpu.memory_space<vmem_shared>>
      %dma_wait3A_46 = arith.constant 0 : i32
      %dma_wait3A_47 = tpu.memref_slice %arg6[%mul3A_1, %dma_wait3A_46] : memref<10000x16xf32, #tpu.memory_space<hbm>> -> memref<624x16xf32, #tpu.memory_space<hbm>>
      tpu.wait_dma2 semaphore(%run_scoped3A_40 : memref<!tpu.dma_semaphore, #tpu.memory_space<semaphore_mem>>) src(%dma_wait3A_47 : memref<624x16xf32, #tpu.memory_space<hbm>>) dst(%dma_wait3A_45 : memref<624x16xf32, #tpu.memory_space<vmem_shared>>)
      tpu.yield
    }) : () -> ()
    %eq3A_2 = arith.constant 0 : i32
    %eq3A_3 = arith.cmpi eq, %arg1, %eq3A_2 : i32
    %convert_element_type3A = arith.extui %eq3A_3 : i1 to i32
    %cond3A = arith.constant 0 : i32
    %cond3A_4 = arith.cmpi ne, %convert_element_type3A, %cond3A : i32
    scf.if %cond3A_4 {
      "tpu.region"() ({
        %run_scoped3A_40 = tpu.sem_alloc : memref<!tpu.dma_semaphore, #tpu.memory_space<semaphore_mem>>
        %dma_start3A_41 = arith.constant 9984 : i32
        %dma_start3A_42 = arith.constant 0 : i32
        %dma_start3A_43 = tpu.memref_slice %arg20[%dma_start3A_41, %dma_start3A_42] : memref<10000x64xf32, #tpu.memory_space<vmem_shared>> -> memref<16x64xf32, #tpu.memory_space<vmem_shared>>
        %dma_start3A_44 = arith.constant 9984 : i32
        %dma_start3A_45 = arith.constant 0 : i32
        %dma_start3A_46 = tpu.memref_slice %arg5[%dma_start3A_44, %dma_start3A_45] : memref<10000x64xf32, #tpu.memory_space<hbm>> -> memref<16x64xf32, #tpu.memory_space<hbm>>
        tpu.enqueue_dma source(%dma_start3A_46 : memref<16x64xf32, #tpu.memory_space<hbm>>) target(%dma_start3A_43 : memref<16x64xf32, #tpu.memory_space<vmem_shared>>) target_semaphore(%run_scoped3A_40 : memref<!tpu.dma_semaphore, #tpu.memory_space<semaphore_mem>>)
        %dma_wait3A = arith.constant 9984 : i32
        %dma_wait3A_47 = arith.constant 0 : i32
        %dma_wait3A_48 = tpu.memref_slice %arg20[%dma_wait3A, %dma_wait3A_47] : memref<10000x64xf32, #tpu.memory_space<vmem_shared>> -> memref<16x64xf32, #tpu.memory_space<vmem_shared>>
        %dma_wait3A_49 = arith.constant 9984 : i32
        %dma_wait3A_50 = arith.constant 0 : i32
        %dma_wait3A_51 = tpu.memref_slice %arg5[%dma_wait3A_49, %dma_wait3A_50] : memref<10000x64xf32, #tpu.memory_space<hbm>> -> memref<16x64xf32, #tpu.memory_space<hbm>>
        tpu.wait_dma2 semaphore(%run_scoped3A_40 : memref<!tpu.dma_semaphore, #tpu.memory_space<semaphore_mem>>) src(%dma_wait3A_51 : memref<16x64xf32, #tpu.memory_space<hbm>>) dst(%dma_wait3A_48 : memref<16x64xf32, #tpu.memory_space<vmem_shared>>)
        tpu.yield
      }) : () -> ()
      "tpu.region"() ({
        %run_scoped3A_40 = tpu.sem_alloc : memref<!tpu.dma_semaphore, #tpu.memory_space<semaphore_mem>>
        %dma_start3A_41 = arith.constant 9984 : i32
        %dma_start3A_42 = arith.constant 0 : i32
        %dma_start3A_43 = tpu.memref_slice %arg21[%dma_start3A_41, %dma_start3A_42] : memref<10000x16xf32, #tpu.memory_space<vmem_shared>> -> memref<16x16xf32, #tpu.memory_space<vmem_shared>>
        %dma_start3A_44 = arith.constant 9984 : i32
        %dma_start3A_45 = arith.constant 0 : i32
        %dma_start3A_46 = tpu.memref_slice %arg6[%dma_start3A_44, %dma_start3A_45] : memref<10000x16xf32, #tpu.memory_space<hbm>> -> memref<16x16xf32, #tpu.memory_space<hbm>>
        tpu.enqueue_dma source(%dma_start3A_46 : memref<16x16xf32, #tpu.memory_space<hbm>>) target(%dma_start3A_43 : memref<16x16xf32, #tpu.memory_space<vmem_shared>>) target_semaphore(%run_scoped3A_40 : memref<!tpu.dma_semaphore, #tpu.memory_space<semaphore_mem>>)
        %dma_wait3A = arith.constant 9984 : i32
        %dma_wait3A_47 = arith.constant 0 : i32
        %dma_wait3A_48 = tpu.memref_slice %arg21[%dma_wait3A, %dma_wait3A_47] : memref<10000x16xf32, #tpu.memory_space<vmem_shared>> -> memref<16x16xf32, #tpu.memory_space<vmem_shared>>
        %dma_wait3A_49 = arith.constant 9984 : i32
        %dma_wait3A_50 = arith.constant 0 : i32
        %dma_wait3A_51 = tpu.memref_slice %arg6[%dma_wait3A_49, %dma_wait3A_50] : memref<10000x16xf32, #tpu.memory_space<hbm>> -> memref<16x16xf32, #tpu.memory_space<hbm>>
        tpu.wait_dma2 semaphore(%run_scoped3A_40 : memref<!tpu.dma_semaphore, #tpu.memory_space<semaphore_mem>>) src(%dma_wait3A_51 : memref<16x16xf32, #tpu.memory_space<hbm>>) dst(%dma_wait3A_48 : memref<16x16xf32, #tpu.memory_space<vmem_shared>>)
        tpu.yield
      }) : () -> ()
    } else {
    }
    %barrier3A = arith.constant 0 : index
    tpu.barrier barrier_id(%barrier3A)
    %iota3A = tpu.iota {dimensions = array<i32: 0>} : vector<16xi32>
    %run_scoped3A = arith.constant 0 : i32
    "tpu.region"() ({
      %run_scoped3A_40 = tpu.sem_alloc : memref<!tpu.dma_semaphore, #tpu.memory_space<semaphore_mem>>
      %dma_start3A_41 = arith.constant 0 : i32
      %dma_start3A_42 = arith.constant 0 : i32
      %dma_start3A_43 = tpu.memref_slice %arg2[%arg1, %run_scoped3A, %dma_start3A_41, %dma_start3A_42] : memref<16x80x2x256xi32, #tpu.memory_space<hbm>> -> memref<1x1x2x256xi32, #tpu.memory_space<hbm>>
      %dma_start3A_44 = tpu.memref_squeeze %dma_start3A_43 : memref<1x1x2x256xi32, #tpu.memory_space<hbm>> -> memref<2x256xi32, #tpu.memory_space<hbm>>
      %dma_start3A_45 = arith.constant 0 : i32
      %dma_start3A_46 = arith.constant 0 : i32
      %dma_start3A_47 = tpu.memref_slice %arg2[%arg1, %run_scoped3A, %dma_start3A_45, %dma_start3A_46] : memref<16x80x2x256xi32, #tpu.memory_space<hbm>> -> memref<1x1x2x256xi32, #tpu.memory_space<hbm>>
      %dma_start3A_48 = tpu.memref_squeeze %dma_start3A_47 : memref<1x1x2x256xi32, #tpu.memory_space<hbm>> -> memref<2x256xi32, #tpu.memory_space<hbm>>
      tpu.enqueue_dma source(%dma_start3A_48 : memref<2x256xi32, #tpu.memory_space<hbm>>) target(%arg9 : memref<2x256xi32, #tpu.memory_space<vmem>>) target_semaphore(%run_scoped3A_40 : memref<!tpu.dma_semaphore, #tpu.memory_space<semaphore_mem>>)
      %dma_wait3A = arith.constant 0 : i32
      %dma_wait3A_49 = arith.constant 0 : i32
      %dma_wait3A_50 = tpu.memref_slice %arg2[%arg1, %run_scoped3A, %dma_wait3A, %dma_wait3A_49] : memref<16x80x2x256xi32, #tpu.memory_space<hbm>> -> memref<1x1x2x256xi32, #tpu.memory_space<hbm>>
      %dma_wait3A_51 = tpu.memref_squeeze %dma_wait3A_50 : memref<1x1x2x256xi32, #tpu.memory_space<hbm>> -> memref<2x256xi32, #tpu.memory_space<hbm>>
      %dma_wait3A_52 = arith.constant 0 : i32
      %dma_wait3A_53 = arith.constant 0 : i32
      %dma_wait3A_54 = tpu.memref_slice %arg2[%arg1, %run_scoped3A, %dma_wait3A_52, %dma_wait3A_53] : memref<16x80x2x256xi32, #tpu.memory_space<hbm>> -> memref<1x1x2x256xi32, #tpu.memory_space<hbm>>
      %dma_wait3A_55 = tpu.memref_squeeze %dma_wait3A_54 : memref<1x1x2x256xi32, #tpu.memory_space<hbm>> -> memref<2x256xi32, #tpu.memory_space<hbm>>
      tpu.wait_dma2 semaphore(%run_scoped3A_40 : memref<!tpu.dma_semaphore, #tpu.memory_space<semaphore_mem>>) src(%dma_wait3A_55 : memref<2x256xi32, #tpu.memory_space<hbm>>) dst(%arg9 : memref<2x256xi32, #tpu.memory_space<vmem>>)
      tpu.yield
    }) : () -> ()
    %dma_start3A = arith.constant 0 : i32
    %dma_start3A_5 = arith.constant 0 : i32
    %dma_start3A_6 = tpu.memref_slice %arg9[%dma_start3A, %dma_start3A_5] : memref<2x256xi32, #tpu.memory_space<vmem>> -> memref<1x256xi32, #tpu.memory_space<vmem>>
    %dma_start3A_7 = tpu.memref_squeeze %dma_start3A_6 : memref<1x256xi32, #tpu.memory_space<vmem>> -> memref<256xi32, #tpu.memory_space<vmem>>
    %dma_start3A_8 = arith.constant 0 : i32
    %dma_start3A_9 = arith.constant 0 : i32
    %dma_start3A_10 = tpu.memref_slice %arg3[%dma_start3A_8, %dma_start3A_9] : memref<10000x16xf32, #tpu.memory_space<hbm>> -> memref<10000x16xf32, #tpu.memory_space<hbm>>
    tpu.enqueue_indirect_dma source(%dma_start3A_10 : memref<10000x16xf32, #tpu.memory_space<hbm>>) target(%arg11 : memref<256x16xf32, #tpu.memory_space<vmem>>) offsets(%dma_start3A_7 : memref<256xi32, #tpu.memory_space<vmem>>) semaphore(%arg22 : memref<!tpu.dma_semaphore, #tpu.memory_space<semaphore_mem>>)
    %dma_start3A_11 = arith.constant 1 : i32
    %dma_start3A_12 = arith.constant 0 : i32
    %dma_start3A_13 = tpu.memref_slice %arg9[%dma_start3A_11, %dma_start3A_12] : memref<2x256xi32, #tpu.memory_space<vmem>> -> memref<1x256xi32, #tpu.memory_space<vmem>>
    %dma_start3A_14 = tpu.memref_squeeze %dma_start3A_13 : memref<1x256xi32, #tpu.memory_space<vmem>> -> memref<256xi32, #tpu.memory_space<vmem>>
    %dma_start3A_15 = arith.constant 0 : i32
    %dma_start3A_16 = arith.constant 0 : i32
    %dma_start3A_17 = tpu.memref_slice %arg3[%dma_start3A_15, %dma_start3A_16] : memref<10000x16xf32, #tpu.memory_space<hbm>> -> memref<10000x16xf32, #tpu.memory_space<hbm>>
    tpu.enqueue_indirect_dma source(%dma_start3A_17 : memref<10000x16xf32, #tpu.memory_space<hbm>>) target(%arg13 : memref<256x16xf32, #tpu.memory_space<vmem>>) offsets(%dma_start3A_14 : memref<256xi32, #tpu.memory_space<vmem>>) semaphore(%arg23 : memref<!tpu.dma_semaphore, #tpu.memory_space<semaphore_mem>>)
    %dma_start3A_18 = arith.constant 1 : i32
    %dma_start3A_19 = arith.constant 0 : i32
    %dma_start3A_20 = tpu.memref_slice %arg9[%dma_start3A_18, %dma_start3A_19] : memref<2x256xi32, #tpu.memory_space<vmem>> -> memref<1x256xi32, #tpu.memory_space<vmem>>
    %dma_start3A_21 = tpu.memref_squeeze %dma_start3A_20 : memref<1x256xi32, #tpu.memory_space<vmem>> -> memref<256xi32, #tpu.memory_space<vmem>>
    %dma_start3A_22 = arith.constant 0 : i32
    %dma_start3A_23 = arith.constant 0 : i32
    %dma_start3A_24 = tpu.memref_slice %arg4[%arg0, %dma_start3A_22, %dma_start3A_23] : memref<2x10000x64xf32, #tpu.memory_space<hbm>> -> memref<1x10000x64xf32, #tpu.memory_space<hbm>>
    %dma_start3A_25 = tpu.memref_squeeze %dma_start3A_24 : memref<1x10000x64xf32, #tpu.memory_space<hbm>> -> memref<10000x64xf32, #tpu.memory_space<hbm>>
    %dma_start3A_26 = arith.constant 0 : i32
    %dma_start3A_27 = arith.constant 0 : i32
    %dma_start3A_28 = tpu.memref_slice %dma_start3A_25[%dma_start3A_26, %dma_start3A_27] : memref<10000x64xf32, #tpu.memory_space<hbm>> -> memref<10000x64xf32, #tpu.memory_space<hbm>>
    tpu.enqueue_indirect_dma source(%dma_start3A_28 : memref<10000x64xf32, #tpu.memory_space<hbm>>) target(%arg17 : memref<256x64xf32, #tpu.memory_space<vmem>>) offsets(%dma_start3A_21 : memref<256xi32, #tpu.memory_space<vmem>>) semaphore(%arg24 : memref<!tpu.dma_semaphore, #tpu.memory_space<semaphore_mem>>)
    %scan3A = arith.constant 0 : i32
    %scan3A_29 = arith.constant 0 : i32
    %scan3A_30 = arith.constant 40 : i32
    %scan3A_31 = arith.addi %scan3A_29, %scan3A_30 : i32
    %scan3A_32 = arith.constant 1 : i32
    scf.for %scan3A_40 = %scan3A_29 to %scan3A_31 step %scan3A_32  : i32 {
      %mul3A_41 = arith.constant 2 : i32
      %mul3A_42 = arith.muli %mul3A_41, %scan3A_40 : i32
      %add3A = arith.constant 1 : i32
      %add3A_43 = arith.addi %mul3A_42, %add3A : i32
      "tpu.region"() ({
        %run_scoped3A_265 = tpu.sem_alloc : memref<!tpu.dma_semaphore, #tpu.memory_space<semaphore_mem>>
        %dma_start3A_266 = arith.constant 0 : i32
        %dma_start3A_267 = arith.constant 0 : i32
        %dma_start3A_268 = tpu.memref_slice %arg2[%arg1, %add3A_43, %dma_start3A_266, %dma_start3A_267] : memref<16x80x2x256xi32, #tpu.memory_space<hbm>> -> memref<1x1x2x256xi32, #tpu.memory_space<hbm>>
        %dma_start3A_269 = tpu.memref_squeeze %dma_start3A_268 : memref<1x1x2x256xi32, #tpu.memory_space<hbm>> -> memref<2x256xi32, #tpu.memory_space<hbm>>
        %dma_start3A_270 = arith.constant 0 : i32
        %dma_start3A_271 = arith.constant 0 : i32
        %dma_start3A_272 = tpu.memref_slice %arg2[%arg1, %add3A_43, %dma_start3A_270, %dma_start3A_271] : memref<16x80x2x256xi32, #tpu.memory_space<hbm>> -> memref<1x1x2x256xi32, #tpu.memory_space<hbm>>
        %dma_start3A_273 = tpu.memref_squeeze %dma_start3A_272 : memref<1x1x2x256xi32, #tpu.memory_space<hbm>> -> memref<2x256xi32, #tpu.memory_space<hbm>>
        tpu.enqueue_dma source(%dma_start3A_273 : memref<2x256xi32, #tpu.memory_space<hbm>>) target(%arg10 : memref<2x256xi32, #tpu.memory_space<vmem>>) target_semaphore(%run_scoped3A_265 : memref<!tpu.dma_semaphore, #tpu.memory_space<semaphore_mem>>)
        %dma_wait3A_274 = arith.constant 0 : i32
        %dma_wait3A_275 = arith.constant 0 : i32
        %dma_wait3A_276 = tpu.memref_slice %arg2[%arg1, %add3A_43, %dma_wait3A_274, %dma_wait3A_275] : memref<16x80x2x256xi32, #tpu.memory_space<hbm>> -> memref<1x1x2x256xi32, #tpu.memory_space<hbm>>
        %dma_wait3A_277 = tpu.memref_squeeze %dma_wait3A_276 : memref<1x1x2x256xi32, #tpu.memory_space<hbm>> -> memref<2x256xi32, #tpu.memory_space<hbm>>
        %dma_wait3A_278 = arith.constant 0 : i32
        %dma_wait3A_279 = arith.constant 0 : i32
        %dma_wait3A_280 = tpu.memref_slice %arg2[%arg1, %add3A_43, %dma_wait3A_278, %dma_wait3A_279] : memref<16x80x2x256xi32, #tpu.memory_space<hbm>> -> memref<1x1x2x256xi32, #tpu.memory_space<hbm>>
        %dma_wait3A_281 = tpu.memref_squeeze %dma_wait3A_280 : memref<1x1x2x256xi32, #tpu.memory_space<hbm>> -> memref<2x256xi32, #tpu.memory_space<hbm>>
        tpu.wait_dma2 semaphore(%run_scoped3A_265 : memref<!tpu.dma_semaphore, #tpu.memory_space<semaphore_mem>>) src(%dma_wait3A_281 : memref<2x256xi32, #tpu.memory_space<hbm>>) dst(%arg10 : memref<2x256xi32, #tpu.memory_space<vmem>>)
        tpu.yield
      }) : () -> ()
      %dma_start3A_44 = arith.constant 0 : i32
      %dma_start3A_45 = arith.constant 0 : i32
      %dma_start3A_46 = tpu.memref_slice %arg10[%dma_start3A_44, %dma_start3A_45] : memref<2x256xi32, #tpu.memory_space<vmem>> -> memref<1x256xi32, #tpu.memory_space<vmem>>
      %dma_start3A_47 = tpu.memref_squeeze %dma_start3A_46 : memref<1x256xi32, #tpu.memory_space<vmem>> -> memref<256xi32, #tpu.memory_space<vmem>>
      %dma_start3A_48 = arith.constant 0 : i32
      %dma_start3A_49 = arith.constant 0 : i32
      %dma_start3A_50 = tpu.memref_slice %arg3[%dma_start3A_48, %dma_start3A_49] : memref<10000x16xf32, #tpu.memory_space<hbm>> -> memref<10000x16xf32, #tpu.memory_space<hbm>>
      tpu.enqueue_indirect_dma source(%dma_start3A_50 : memref<10000x16xf32, #tpu.memory_space<hbm>>) target(%arg12 : memref<256x16xf32, #tpu.memory_space<vmem>>) offsets(%dma_start3A_47 : memref<256xi32, #tpu.memory_space<vmem>>) semaphore(%arg25 : memref<!tpu.dma_semaphore, #tpu.memory_space<semaphore_mem>>)
      %dma_start3A_51 = arith.constant 1 : i32
      %dma_start3A_52 = arith.constant 0 : i32
      %dma_start3A_53 = tpu.memref_slice %arg10[%dma_start3A_51, %dma_start3A_52] : memref<2x256xi32, #tpu.memory_space<vmem>> -> memref<1x256xi32, #tpu.memory_space<vmem>>
      %dma_start3A_54 = tpu.memref_squeeze %dma_start3A_53 : memref<1x256xi32, #tpu.memory_space<vmem>> -> memref<256xi32, #tpu.memory_space<vmem>>
      %dma_start3A_55 = arith.constant 0 : i32
      %dma_start3A_56 = arith.constant 0 : i32
      %dma_start3A_57 = tpu.memref_slice %arg3[%dma_start3A_55, %dma_start3A_56] : memref<10000x16xf32, #tpu.memory_space<hbm>> -> memref<10000x16xf32, #tpu.memory_space<hbm>>
      tpu.enqueue_indirect_dma source(%dma_start3A_57 : memref<10000x16xf32, #tpu.memory_space<hbm>>) target(%arg14 : memref<256x16xf32, #tpu.memory_space<vmem>>) offsets(%dma_start3A_54 : memref<256xi32, #tpu.memory_space<vmem>>) semaphore(%arg26 : memref<!tpu.dma_semaphore, #tpu.memory_space<semaphore_mem>>)
      %dma_start3A_58 = arith.constant 1 : i32
      %dma_start3A_59 = arith.constant 0 : i32
      %dma_start3A_60 = tpu.memref_slice %arg10[%dma_start3A_58, %dma_start3A_59] : memref<2x256xi32, #tpu.memory_space<vmem>> -> memref<1x256xi32, #tpu.memory_space<vmem>>
      %dma_start3A_61 = tpu.memref_squeeze %dma_start3A_60 : memref<1x256xi32, #tpu.memory_space<vmem>> -> memref<256xi32, #tpu.memory_space<vmem>>
      %dma_start3A_62 = arith.constant 0 : i32
      %dma_start3A_63 = arith.constant 0 : i32
      %dma_start3A_64 = tpu.memref_slice %arg4[%arg0, %dma_start3A_62, %dma_start3A_63] : memref<2x10000x64xf32, #tpu.memory_space<hbm>> -> memref<1x10000x64xf32, #tpu.memory_space<hbm>>
      %dma_start3A_65 = tpu.memref_squeeze %dma_start3A_64 : memref<1x10000x64xf32, #tpu.memory_space<hbm>> -> memref<10000x64xf32, #tpu.memory_space<hbm>>
      %dma_start3A_66 = arith.constant 0 : i32
      %dma_start3A_67 = arith.constant 0 : i32
      %dma_start3A_68 = tpu.memref_slice %dma_start3A_65[%dma_start3A_66, %dma_start3A_67] : memref<10000x64xf32, #tpu.memory_space<hbm>> -> memref<10000x64xf32, #tpu.memory_space<hbm>>
      tpu.enqueue_indirect_dma source(%dma_start3A_68 : memref<10000x64xf32, #tpu.memory_space<hbm>>) target(%arg18 : memref<256x64xf32, #tpu.memory_space<vmem>>) offsets(%dma_start3A_61 : memref<256xi32, #tpu.memory_space<vmem>>) semaphore(%arg27 : memref<!tpu.dma_semaphore, #tpu.memory_space<semaphore_mem>>)
      %dma_wait3A = arith.constant 0 : i32
      %dma_wait3A_69 = arith.constant 0 : i32
      %dma_wait3A_70 = tpu.memref_slice %arg9[%dma_wait3A, %dma_wait3A_69] : memref<2x256xi32, #tpu.memory_space<vmem>> -> memref<1x256xi32, #tpu.memory_space<vmem>>
      %dma_wait3A_71 = tpu.memref_squeeze %dma_wait3A_70 : memref<1x256xi32, #tpu.memory_space<vmem>> -> memref<256xi32, #tpu.memory_space<vmem>>
      %dma_wait3A_72 = arith.constant 0 : i32
      %dma_wait3A_73 = arith.constant 0 : i32
      %dma_wait3A_74 = tpu.memref_slice %arg3[%dma_wait3A_72, %dma_wait3A_73] : memref<10000x16xf32, #tpu.memory_space<hbm>> -> memref<10000x16xf32, #tpu.memory_space<hbm>>
      tpu.wait_indirect_dma semaphore(%arg22 : memref<!tpu.dma_semaphore, #tpu.memory_space<semaphore_mem>>) src(%dma_wait3A_74 : memref<10000x16xf32, #tpu.memory_space<hbm>>) dst(%arg11 : memref<256x16xf32, #tpu.memory_space<vmem>>)
      %dma_wait3A_75 = arith.constant 1 : i32
      %dma_wait3A_76 = arith.constant 0 : i32
      %dma_wait3A_77 = tpu.memref_slice %arg9[%dma_wait3A_75, %dma_wait3A_76] : memref<2x256xi32, #tpu.memory_space<vmem>> -> memref<1x256xi32, #tpu.memory_space<vmem>>
      %dma_wait3A_78 = tpu.memref_squeeze %dma_wait3A_77 : memref<1x256xi32, #tpu.memory_space<vmem>> -> memref<256xi32, #tpu.memory_space<vmem>>
      %dma_wait3A_79 = arith.constant 0 : i32
      %dma_wait3A_80 = arith.constant 0 : i32
      %dma_wait3A_81 = tpu.memref_slice %arg3[%dma_wait3A_79, %dma_wait3A_80] : memref<10000x16xf32, #tpu.memory_space<hbm>> -> memref<10000x16xf32, #tpu.memory_space<hbm>>
      tpu.wait_indirect_dma semaphore(%arg23 : memref<!tpu.dma_semaphore, #tpu.memory_space<semaphore_mem>>) src(%dma_wait3A_81 : memref<10000x16xf32, #tpu.memory_space<hbm>>) dst(%arg13 : memref<256x16xf32, #tpu.memory_space<vmem>>)
      %dma_wait3A_82 = arith.constant 1 : i32
      %dma_wait3A_83 = arith.constant 0 : i32
      %dma_wait3A_84 = tpu.memref_slice %arg9[%dma_wait3A_82, %dma_wait3A_83] : memref<2x256xi32, #tpu.memory_space<vmem>> -> memref<1x256xi32, #tpu.memory_space<vmem>>
      %dma_wait3A_85 = tpu.memref_squeeze %dma_wait3A_84 : memref<1x256xi32, #tpu.memory_space<vmem>> -> memref<256xi32, #tpu.memory_space<vmem>>
      %dma_wait3A_86 = arith.constant 0 : i32
      %dma_wait3A_87 = arith.constant 0 : i32
      %dma_wait3A_88 = tpu.memref_slice %arg4[%arg0, %dma_wait3A_86, %dma_wait3A_87] : memref<2x10000x64xf32, #tpu.memory_space<hbm>> -> memref<1x10000x64xf32, #tpu.memory_space<hbm>>
      %dma_wait3A_89 = tpu.memref_squeeze %dma_wait3A_88 : memref<1x10000x64xf32, #tpu.memory_space<hbm>> -> memref<10000x64xf32, #tpu.memory_space<hbm>>
      %dma_wait3A_90 = arith.constant 0 : i32
      %dma_wait3A_91 = arith.constant 0 : i32
      %dma_wait3A_92 = tpu.memref_slice %dma_wait3A_89[%dma_wait3A_90, %dma_wait3A_91] : memref<10000x64xf32, #tpu.memory_space<hbm>> -> memref<10000x64xf32, #tpu.memory_space<hbm>>
      tpu.wait_indirect_dma semaphore(%arg24 : memref<!tpu.dma_semaphore, #tpu.memory_space<semaphore_mem>>) src(%dma_wait3A_92 : memref<10000x64xf32, #tpu.memory_space<hbm>>) dst(%arg17 : memref<256x64xf32, #tpu.memory_space<vmem>>)
      %mul3A_93 = arith.constant 80 : i32
      %mul3A_94 = arith.muli %arg1, %mul3A_93 : i32
      %add3A_95 = arith.addi %mul3A_94, %mul3A_42 : i32
      %mul3A_96 = arith.constant 256 : i32
      %mul3A_97 = arith.muli %add3A_95, %mul3A_96 : i32
      %add3A_98 = arith.constant 8 : i32
      %add3A_99 = vector.broadcast %add3A_98 : i32 to vector<16xi32>
      %add3A_100 = arith.addi %iota3A, %add3A_99 : vector<16xi32>
      %and3A = arith.constant 15 : i32
      %and3A_101 = vector.broadcast %and3A : i32 to vector<16xi32>
      %and3A_102 = arith.andi %add3A_100, %and3A_101 : vector<16xi32>
      %and3A_103 = arith.constant 8 : i32
      %and3A_104 = vector.broadcast %and3A_103 : i32 to vector<16xi32>
      %and3A_105 = arith.andi %iota3A, %and3A_104 : vector<16xi32>
      %add3A_106 = arith.constant 4 : i32
      %add3A_107 = vector.broadcast %add3A_106 : i32 to vector<16xi32>
      %add3A_108 = arith.addi %iota3A, %add3A_107 : vector<16xi32>
      %and3A_109 = arith.constant 7 : i32
      %and3A_110 = vector.broadcast %and3A_109 : i32 to vector<16xi32>
      %and3A_111 = arith.andi %add3A_108, %and3A_110 : vector<16xi32>
      %or3A = arith.ori %and3A_105, %and3A_111 : vector<16xi32>
      %and3A_112 = arith.constant 8 : i32
      %and3A_113 = vector.broadcast %and3A_112 : i32 to vector<16xi32>
      %and3A_114 = arith.andi %iota3A, %and3A_113 : vector<16xi32>
      %add3A_115 = arith.constant 2 : i32
      %add3A_116 = vector.broadcast %add3A_115 : i32 to vector<16xi32>
      %add3A_117 = arith.addi %iota3A, %add3A_116 : vector<16xi32>
      %and3A_118 = arith.constant 7 : i32
      %and3A_119 = vector.broadcast %and3A_118 : i32 to vector<16xi32>
      %and3A_120 = arith.andi %add3A_117, %and3A_119 : vector<16xi32>
      %or3A_121 = arith.ori %and3A_114, %and3A_120 : vector<16xi32>
      %and3A_122 = arith.constant 8 : i32
      %and3A_123 = vector.broadcast %and3A_122 : i32 to vector<16xi32>
      %and3A_124 = arith.andi %iota3A, %and3A_123 : vector<16xi32>
      %add3A_125 = arith.constant 1 : i32
      %add3A_126 = vector.broadcast %add3A_125 : i32 to vector<16xi32>
      %add3A_127 = arith.addi %iota3A, %add3A_126 : vector<16xi32>
      %and3A_128 = arith.constant 7 : i32
      %and3A_129 = vector.broadcast %and3A_128 : i32 to vector<16xi32>
      %and3A_130 = arith.andi %add3A_127, %and3A_129 : vector<16xi32>
      %or3A_131 = arith.ori %and3A_124, %and3A_130 : vector<16xi32>
      %lt3A = arith.constant 8 : i32
      %lt3A_132 = vector.broadcast %lt3A : i32 to vector<16xi32>
      %lt3A_133 = arith.cmpi slt, %iota3A, %lt3A_132 : vector<16xi32>
      %mul3A_134 = arith.constant 4 : i32
      %mul3A_135 = arith.muli %arg0, %mul3A_134 : i32
      %add3A_136 = arith.constant 0 : i32
      %add3A_137 = arith.addi %mul3A_135, %add3A_136 : i32
      %broadcast_in_dim3A = vector.broadcast %add3A_137 : i32 to vector<16xi32>
      %mul3A_138 = arith.constant 4 : i32
      %mul3A_139 = arith.muli %arg0, %mul3A_138 : i32
      %add3A_140 = arith.constant 1 : i32
      %add3A_141 = arith.addi %mul3A_139, %add3A_140 : i32
      %broadcast_in_dim3A_142 = vector.broadcast %add3A_141 : i32 to vector<16xi32>
      %mul3A_143 = arith.constant 4 : i32
      %mul3A_144 = arith.muli %arg0, %mul3A_143 : i32
      %add3A_145 = arith.constant 2 : i32
      %add3A_146 = arith.addi %mul3A_144, %add3A_145 : i32
      %broadcast_in_dim3A_147 = vector.broadcast %add3A_146 : i32 to vector<16xi32>
      %mul3A_148 = arith.constant 4 : i32
      %mul3A_149 = arith.muli %arg0, %mul3A_148 : i32
      %add3A_150 = arith.constant 3 : i32
      %add3A_151 = arith.addi %mul3A_149, %add3A_150 : i32
      %broadcast_in_dim3A_152 = vector.broadcast %add3A_151 : i32 to vector<16xi32>
      %ge3A = arith.constant 40 : i32
      %ge3A_153 = arith.cmpi sge, %mul3A_42, %ge3A : i32
      %xor3A = arith.xori %eq3A_0, %ge3A_153 : i1
      %convert_element_type3A_154 = arith.extui %xor3A : i1 to i32
      %cond3A_155 = arith.constant 0 : i32
      %cond3A_156 = arith.cmpi ne, %convert_element_type3A_154, %cond3A_155 : i32
      scf.if %cond3A_156 {
        %run_scoped3A_265 = arith.constant 0 : i32
        "tpu.region"() ({
          %run_scoped3A_266 = tpu.sem_alloc : memref<!tpu.dma_semaphore, #tpu.memory_space<semaphore_mem>>
          %dma_start3A_267 = arith.constant 0 : i32
          %dma_start3A_268 = tpu.memref_slice %arg9[%run_scoped3A_265, %dma_start3A_267] : memref<2x256xi32, #tpu.memory_space<vmem>> -> memref<1x256xi32, #tpu.memory_space<vmem>>
          %dma_start3A_269 = tpu.memref_squeeze %dma_start3A_268 : memref<1x256xi32, #tpu.memory_space<vmem>> -> memref<256xi32, #tpu.memory_space<vmem>>
          %dma_start3A_270 = arith.constant 0 : i32
          %dma_start3A_271 = arith.constant 0 : i32
          %dma_start3A_272 = tpu.memref_slice %arg21[%dma_start3A_270, %dma_start3A_271] : memref<10000x16xf32, #tpu.memory_space<vmem_shared>> -> memref<10000x16xf32, #tpu.memory_space<vmem_shared>>
          tpu.enqueue_indirect_dma source(%arg15 : memref<256x16xf32, #tpu.memory_space<vmem>>) target(%dma_start3A_272 : memref<10000x16xf32, #tpu.memory_space<vmem_shared>>) offsets(%dma_start3A_269 : memref<256xi32, #tpu.memory_space<vmem>>) semaphore(%run_scoped3A_266 : memref<!tpu.dma_semaphore, #tpu.memory_space<semaphore_mem>>) {add = true}
          %dma_wait3A_273 = arith.constant 0 : i32
          %dma_wait3A_274 = tpu.memref_slice %arg9[%run_scoped3A_265, %dma_wait3A_273] : memref<2x256xi32, #tpu.memory_space<vmem>> -> memref<1x256xi32, #tpu.memory_space<vmem>>
          %dma_wait3A_275 = tpu.memref_squeeze %dma_wait3A_274 : memref<1x256xi32, #tpu.memory_space<vmem>> -> memref<256xi32, #tpu.memory_space<vmem>>
          %dma_wait3A_276 = arith.constant 0 : i32
          %dma_wait3A_277 = arith.constant 0 : i32
          %dma_wait3A_278 = tpu.memref_slice %arg21[%dma_wait3A_276, %dma_wait3A_277] : memref<10000x16xf32, #tpu.memory_space<vmem_shared>> -> memref<10000x16xf32, #tpu.memory_space<vmem_shared>>
          tpu.wait_indirect_dma semaphore(%run_scoped3A_266 : memref<!tpu.dma_semaphore, #tpu.memory_space<semaphore_mem>>) src(%arg15 : memref<256x16xf32, #tpu.memory_space<vmem>>) dst(%dma_wait3A_278 : memref<10000x16xf32, #tpu.memory_space<vmem_shared>>)
          tpu.yield
        }) : () -> ()
      } else {
      }
      %run_scoped3A_157 = arith.constant 0 : i32
      "tpu.region"() ({
        %run_scoped3A_265 = tpu.sem_alloc : memref<!tpu.dma_semaphore, #tpu.memory_space<semaphore_mem>>
        %dma_start3A_266 = arith.constant 0 : i32
        %dma_start3A_267 = tpu.memref_slice %arg9[%run_scoped3A_157, %dma_start3A_266] : memref<2x256xi32, #tpu.memory_space<vmem>> -> memref<1x256xi32, #tpu.memory_space<vmem>>
        %dma_start3A_268 = tpu.memref_squeeze %dma_start3A_267 : memref<1x256xi32, #tpu.memory_space<vmem>> -> memref<256xi32, #tpu.memory_space<vmem>>
        %dma_start3A_269 = arith.constant 0 : i32
        %dma_start3A_270 = arith.constant 0 : i32
        %dma_start3A_271 = tpu.memref_slice %arg20[%dma_start3A_269, %dma_start3A_270] : memref<10000x64xf32, #tpu.memory_space<vmem_shared>> -> memref<10000x64xf32, #tpu.memory_space<vmem_shared>>
        tpu.enqueue_indirect_dma source(%arg19 : memref<256x64xf32, #tpu.memory_space<vmem>>) target(%dma_start3A_271 : memref<10000x64xf32, #tpu.memory_space<vmem_shared>>) offsets(%dma_start3A_268 : memref<256xi32, #tpu.memory_space<vmem>>) semaphore(%run_scoped3A_265 : memref<!tpu.dma_semaphore, #tpu.memory_space<semaphore_mem>>) {add = true}
        %dma_wait3A_272 = arith.constant 0 : i32
        %dma_wait3A_273 = tpu.memref_slice %arg9[%run_scoped3A_157, %dma_wait3A_272] : memref<2x256xi32, #tpu.memory_space<vmem>> -> memref<1x256xi32, #tpu.memory_space<vmem>>
        %dma_wait3A_274 = tpu.memref_squeeze %dma_wait3A_273 : memref<1x256xi32, #tpu.memory_space<vmem>> -> memref<256xi32, #tpu.memory_space<vmem>>
        %dma_wait3A_275 = arith.constant 0 : i32
        %dma_wait3A_276 = arith.constant 0 : i32
        %dma_wait3A_277 = tpu.memref_slice %arg20[%dma_wait3A_275, %dma_wait3A_276] : memref<10000x64xf32, #tpu.memory_space<vmem_shared>> -> memref<10000x64xf32, #tpu.memory_space<vmem_shared>>
        tpu.wait_indirect_dma semaphore(%run_scoped3A_265 : memref<!tpu.dma_semaphore, #tpu.memory_space<semaphore_mem>>) src(%arg19 : memref<256x64xf32, #tpu.memory_space<vmem>>) dst(%dma_wait3A_277 : memref<10000x64xf32, #tpu.memory_space<vmem_shared>>)
        tpu.yield
      }) : () -> ()
      %add3A_158 = arith.constant 2 : i32
      %add3A_159 = arith.addi %mul3A_42, %add3A_158 : i32
      %lt3A_160 = arith.constant 80 : i32
      %lt3A_161 = arith.cmpi slt, %add3A_159, %lt3A_160 : i32
      %convert_element_type3A_162 = arith.extui %lt3A_161 : i1 to i32
      %cond3A_163 = arith.constant 0 : i32
      %cond3A_164 = arith.cmpi ne, %convert_element_type3A_162, %cond3A_163 : i32
      scf.if %cond3A_164 {
        %add3A_265 = arith.constant 2 : i32
        %add3A_266 = arith.addi %mul3A_42, %add3A_265 : i32
        "tpu.region"() ({
          %run_scoped3A_292 = tpu.sem_alloc : memref<!tpu.dma_semaphore, #tpu.memory_space<semaphore_mem>>
          %dma_start3A_293 = arith.constant 0 : i32
          %dma_start3A_294 = arith.constant 0 : i32
          %dma_start3A_295 = tpu.memref_slice %arg2[%arg1, %add3A_266, %dma_start3A_293, %dma_start3A_294] : memref<16x80x2x256xi32, #tpu.memory_space<hbm>> -> memref<1x1x2x256xi32, #tpu.memory_space<hbm>>
          %dma_start3A_296 = tpu.memref_squeeze %dma_start3A_295 : memref<1x1x2x256xi32, #tpu.memory_space<hbm>> -> memref<2x256xi32, #tpu.memory_space<hbm>>
          %dma_start3A_297 = arith.constant 0 : i32
          %dma_start3A_298 = arith.constant 0 : i32
          %dma_start3A_299 = tpu.memref_slice %arg2[%arg1, %add3A_266, %dma_start3A_297, %dma_start3A_298] : memref<16x80x2x256xi32, #tpu.memory_space<hbm>> -> memref<1x1x2x256xi32, #tpu.memory_space<hbm>>
          %dma_start3A_300 = tpu.memref_squeeze %dma_start3A_299 : memref<1x1x2x256xi32, #tpu.memory_space<hbm>> -> memref<2x256xi32, #tpu.memory_space<hbm>>
          tpu.enqueue_dma source(%dma_start3A_300 : memref<2x256xi32, #tpu.memory_space<hbm>>) target(%arg9 : memref<2x256xi32, #tpu.memory_space<vmem>>) target_semaphore(%run_scoped3A_292 : memref<!tpu.dma_semaphore, #tpu.memory_space<semaphore_mem>>)
          %dma_wait3A_301 = arith.constant 0 : i32
          %dma_wait3A_302 = arith.constant 0 : i32
          %dma_wait3A_303 = tpu.memref_slice %arg2[%arg1, %add3A_266, %dma_wait3A_301, %dma_wait3A_302] : memref<16x80x2x256xi32, #tpu.memory_space<hbm>> -> memref<1x1x2x256xi32, #tpu.memory_space<hbm>>
          %dma_wait3A_304 = tpu.memref_squeeze %dma_wait3A_303 : memref<1x1x2x256xi32, #tpu.memory_space<hbm>> -> memref<2x256xi32, #tpu.memory_space<hbm>>
          %dma_wait3A_305 = arith.constant 0 : i32
          %dma_wait3A_306 = arith.constant 0 : i32
          %dma_wait3A_307 = tpu.memref_slice %arg2[%arg1, %add3A_266, %dma_wait3A_305, %dma_wait3A_306] : memref<16x80x2x256xi32, #tpu.memory_space<hbm>> -> memref<1x1x2x256xi32, #tpu.memory_space<hbm>>
          %dma_wait3A_308 = tpu.memref_squeeze %dma_wait3A_307 : memref<1x1x2x256xi32, #tpu.memory_space<hbm>> -> memref<2x256xi32, #tpu.memory_space<hbm>>
          tpu.wait_dma2 semaphore(%run_scoped3A_292 : memref<!tpu.dma_semaphore, #tpu.memory_space<semaphore_mem>>) src(%dma_wait3A_308 : memref<2x256xi32, #tpu.memory_space<hbm>>) dst(%arg9 : memref<2x256xi32, #tpu.memory_space<vmem>>)
          tpu.yield
        }) : () -> ()
        %dma_start3A_267 = arith.constant 0 : i32
        %dma_start3A_268 = arith.constant 0 : i32
        %dma_start3A_269 = tpu.memref_slice %arg9[%dma_start3A_267, %dma_start3A_268] : memref<2x256xi32, #tpu.memory_space<vmem>> -> memref<1x256xi32, #tpu.memory_space<vmem>>
        %dma_start3A_270 = tpu.memref_squeeze %dma_start3A_269 : memref<1x256xi32, #tpu.memory_space<vmem>> -> memref<256xi32, #tpu.memory_space<vmem>>
        %dma_start3A_271 = arith.constant 0 : i32
        %dma_start3A_272 = arith.constant 0 : i32
        %dma_start3A_273 = tpu.memref_slice %arg3[%dma_start3A_271, %dma_start3A_272] : memref<10000x16xf32, #tpu.memory_space<hbm>> -> memref<10000x16xf32, #tpu.memory_space<hbm>>
        tpu.enqueue_indirect_dma source(%dma_start3A_273 : memref<10000x16xf32, #tpu.memory_space<hbm>>) target(%arg11 : memref<256x16xf32, #tpu.memory_space<vmem>>) offsets(%dma_start3A_270 : memref<256xi32, #tpu.memory_space<vmem>>) semaphore(%arg22 : memref<!tpu.dma_semaphore, #tpu.memory_space<semaphore_mem>>)
        %dma_start3A_274 = arith.constant 1 : i32
        %dma_start3A_275 = arith.constant 0 : i32
        %dma_start3A_276 = tpu.memref_slice %arg9[%dma_start3A_274, %dma_start3A_275] : memref<2x256xi32, #tpu.memory_space<vmem>> -> memref<1x256xi32, #tpu.memory_space<vmem>>
        %dma_start3A_277 = tpu.memref_squeeze %dma_start3A_276 : memref<1x256xi32, #tpu.memory_space<vmem>> -> memref<256xi32, #tpu.memory_space<vmem>>
        %dma_start3A_278 = arith.constant 0 : i32
        %dma_start3A_279 = arith.constant 0 : i32
        %dma_start3A_280 = tpu.memref_slice %arg3[%dma_start3A_278, %dma_start3A_279] : memref<10000x16xf32, #tpu.memory_space<hbm>> -> memref<10000x16xf32, #tpu.memory_space<hbm>>
        tpu.enqueue_indirect_dma source(%dma_start3A_280 : memref<10000x16xf32, #tpu.memory_space<hbm>>) target(%arg13 : memref<256x16xf32, #tpu.memory_space<vmem>>) offsets(%dma_start3A_277 : memref<256xi32, #tpu.memory_space<vmem>>) semaphore(%arg23 : memref<!tpu.dma_semaphore, #tpu.memory_space<semaphore_mem>>)
        %dma_start3A_281 = arith.constant 1 : i32
        %dma_start3A_282 = arith.constant 0 : i32
        %dma_start3A_283 = tpu.memref_slice %arg9[%dma_start3A_281, %dma_start3A_282] : memref<2x256xi32, #tpu.memory_space<vmem>> -> memref<1x256xi32, #tpu.memory_space<vmem>>
        %dma_start3A_284 = tpu.memref_squeeze %dma_start3A_283 : memref<1x256xi32, #tpu.memory_space<vmem>> -> memref<256xi32, #tpu.memory_space<vmem>>
        %dma_start3A_285 = arith.constant 0 : i32
        %dma_start3A_286 = arith.constant 0 : i32
        %dma_start3A_287 = tpu.memref_slice %arg4[%arg0, %dma_start3A_285, %dma_start3A_286] : memref<2x10000x64xf32, #tpu.memory_space<hbm>> -> memref<1x10000x64xf32, #tpu.memory_space<hbm>>
        %dma_start3A_288 = tpu.memref_squeeze %dma_start3A_287 : memref<1x10000x64xf32, #tpu.memory_space<hbm>> -> memref<10000x64xf32, #tpu.memory_space<hbm>>
        %dma_start3A_289 = arith.constant 0 : i32
        %dma_start3A_290 = arith.constant 0 : i32
        %dma_start3A_291 = tpu.memref_slice %dma_start3A_288[%dma_start3A_289, %dma_start3A_290] : memref<10000x64xf32, #tpu.memory_space<hbm>> -> memref<10000x64xf32, #tpu.memory_space<hbm>>
        tpu.enqueue_indirect_dma source(%dma_start3A_291 : memref<10000x64xf32, #tpu.memory_space<hbm>>) target(%arg17 : memref<256x64xf32, #tpu.memory_space<vmem>>) offsets(%dma_start3A_284 : memref<256xi32, #tpu.memory_space<vmem>>) semaphore(%arg24 : memref<!tpu.dma_semaphore, #tpu.memory_space<semaphore_mem>>)
      } else {
      }
      %dma_wait3A_165 = arith.constant 0 : i32
      %dma_wait3A_166 = arith.constant 0 : i32
      %dma_wait3A_167 = tpu.memref_slice %arg10[%dma_wait3A_165, %dma_wait3A_166] : memref<2x256xi32, #tpu.memory_space<vmem>> -> memref<1x256xi32, #tpu.memory_space<vmem>>
      %dma_wait3A_168 = tpu.memref_squeeze %dma_wait3A_167 : memref<1x256xi32, #tpu.memory_space<vmem>> -> memref<256xi32, #tpu.memory_space<vmem>>
      %dma_wait3A_169 = arith.constant 0 : i32
      %dma_wait3A_170 = arith.constant 0 : i32
      %dma_wait3A_171 = tpu.memref_slice %arg3[%dma_wait3A_169, %dma_wait3A_170] : memref<10000x16xf32, #tpu.memory_space<hbm>> -> memref<10000x16xf32, #tpu.memory_space<hbm>>
      tpu.wait_indirect_dma semaphore(%arg25 : memref<!tpu.dma_semaphore, #tpu.memory_space<semaphore_mem>>) src(%dma_wait3A_171 : memref<10000x16xf32, #tpu.memory_space<hbm>>) dst(%arg12 : memref<256x16xf32, #tpu.memory_space<vmem>>)
      %dma_wait3A_172 = arith.constant 1 : i32
      %dma_wait3A_173 = arith.constant 0 : i32
      %dma_wait3A_174 = tpu.memref_slice %arg10[%dma_wait3A_172, %dma_wait3A_173] : memref<2x256xi32, #tpu.memory_space<vmem>> -> memref<1x256xi32, #tpu.memory_space<vmem>>
      %dma_wait3A_175 = tpu.memref_squeeze %dma_wait3A_174 : memref<1x256xi32, #tpu.memory_space<vmem>> -> memref<256xi32, #tpu.memory_space<vmem>>
      %dma_wait3A_176 = arith.constant 0 : i32
      %dma_wait3A_177 = arith.constant 0 : i32
      %dma_wait3A_178 = tpu.memref_slice %arg3[%dma_wait3A_176, %dma_wait3A_177] : memref<10000x16xf32, #tpu.memory_space<hbm>> -> memref<10000x16xf32, #tpu.memory_space<hbm>>
      tpu.wait_indirect_dma semaphore(%arg26 : memref<!tpu.dma_semaphore, #tpu.memory_space<semaphore_mem>>) src(%dma_wait3A_178 : memref<10000x16xf32, #tpu.memory_space<hbm>>) dst(%arg14 : memref<256x16xf32, #tpu.memory_space<vmem>>)
      %dma_wait3A_179 = arith.constant 1 : i32
      %dma_wait3A_180 = arith.constant 0 : i32
      %dma_wait3A_181 = tpu.memref_slice %arg10[%dma_wait3A_179, %dma_wait3A_180] : memref<2x256xi32, #tpu.memory_space<vmem>> -> memref<1x256xi32, #tpu.memory_space<vmem>>
      %dma_wait3A_182 = tpu.memref_squeeze %dma_wait3A_181 : memref<1x256xi32, #tpu.memory_space<vmem>> -> memref<256xi32, #tpu.memory_space<vmem>>
      %dma_wait3A_183 = arith.constant 0 : i32
      %dma_wait3A_184 = arith.constant 0 : i32
      %dma_wait3A_185 = tpu.memref_slice %arg4[%arg0, %dma_wait3A_183, %dma_wait3A_184] : memref<2x10000x64xf32, #tpu.memory_space<hbm>> -> memref<1x10000x64xf32, #tpu.memory_space<hbm>>
      %dma_wait3A_186 = tpu.memref_squeeze %dma_wait3A_185 : memref<1x10000x64xf32, #tpu.memory_space<hbm>> -> memref<10000x64xf32, #tpu.memory_space<hbm>>
      %dma_wait3A_187 = arith.constant 0 : i32
      %dma_wait3A_188 = arith.constant 0 : i32
      %dma_wait3A_189 = tpu.memref_slice %dma_wait3A_186[%dma_wait3A_187, %dma_wait3A_188] : memref<10000x64xf32, #tpu.memory_space<hbm>> -> memref<10000x64xf32, #tpu.memory_space<hbm>>
      tpu.wait_indirect_dma semaphore(%arg27 : memref<!tpu.dma_semaphore, #tpu.memory_space<semaphore_mem>>) src(%dma_wait3A_189 : memref<10000x64xf32, #tpu.memory_space<hbm>>) dst(%arg18 : memref<256x64xf32, #tpu.memory_space<vmem>>)
      %add3A_190 = arith.constant 1 : i32
      %add3A_191 = arith.addi %mul3A_42, %add3A_190 : i32
      %mul3A_192 = arith.constant 80 : i32
      %mul3A_193 = arith.muli %arg1, %mul3A_192 : i32
      %add3A_194 = arith.addi %mul3A_193, %add3A_191 : i32
      %mul3A_195 = arith.constant 256 : i32
      %mul3A_196 = arith.muli %add3A_194, %mul3A_195 : i32
      %add3A_197 = arith.constant 8 : i32
      %add3A_198 = vector.broadcast %add3A_197 : i32 to vector<16xi32>
      %add3A_199 = arith.addi %iota3A, %add3A_198 : vector<16xi32>
      %and3A_200 = arith.constant 15 : i32
      %and3A_201 = vector.broadcast %and3A_200 : i32 to vector<16xi32>
      %and3A_202 = arith.andi %add3A_199, %and3A_201 : vector<16xi32>
      %and3A_203 = arith.constant 8 : i32
      %and3A_204 = vector.broadcast %and3A_203 : i32 to vector<16xi32>
      %and3A_205 = arith.andi %iota3A, %and3A_204 : vector<16xi32>
      %add3A_206 = arith.constant 4 : i32
      %add3A_207 = vector.broadcast %add3A_206 : i32 to vector<16xi32>
      %add3A_208 = arith.addi %iota3A, %add3A_207 : vector<16xi32>
      %and3A_209 = arith.constant 7 : i32
      %and3A_210 = vector.broadcast %and3A_209 : i32 to vector<16xi32>
      %and3A_211 = arith.andi %add3A_208, %and3A_210 : vector<16xi32>
      %or3A_212 = arith.ori %and3A_205, %and3A_211 : vector<16xi32>
      %and3A_213 = arith.constant 8 : i32
      %and3A_214 = vector.broadcast %and3A_213 : i32 to vector<16xi32>
      %and3A_215 = arith.andi %iota3A, %and3A_214 : vector<16xi32>
      %add3A_216 = arith.constant 2 : i32
      %add3A_217 = vector.broadcast %add3A_216 : i32 to vector<16xi32>
      %add3A_218 = arith.addi %iota3A, %add3A_217 : vector<16xi32>
      %and3A_219 = arith.constant 7 : i32
      %and3A_220 = vector.broadcast %and3A_219 : i32 to vector<16xi32>
      %and3A_221 = arith.andi %add3A_218, %and3A_220 : vector<16xi32>
      %or3A_222 = arith.ori %and3A_215, %and3A_221 : vector<16xi32>
      %and3A_223 = arith.constant 8 : i32
      %and3A_224 = vector.broadcast %and3A_223 : i32 to vector<16xi32>
      %and3A_225 = arith.andi %iota3A, %and3A_224 : vector<16xi32>
      %add3A_226 = arith.constant 1 : i32
      %add3A_227 = vector.broadcast %add3A_226 : i32 to vector<16xi32>
      %add3A_228 = arith.addi %iota3A, %add3A_227 : vector<16xi32>
      %and3A_229 = arith.constant 7 : i32
      %and3A_230 = vector.broadcast %and3A_229 : i32 to vector<16xi32>
      %and3A_231 = arith.andi %add3A_228, %and3A_230 : vector<16xi32>
      %or3A_232 = arith.ori %and3A_225, %and3A_231 : vector<16xi32>
      %lt3A_233 = arith.constant 8 : i32
      %lt3A_234 = vector.broadcast %lt3A_233 : i32 to vector<16xi32>
      %lt3A_235 = arith.cmpi slt, %iota3A, %lt3A_234 : vector<16xi32>
      %mul3A_236 = arith.constant 4 : i32
      %mul3A_237 = arith.muli %arg0, %mul3A_236 : i32
      %add3A_238 = arith.constant 0 : i32
      %add3A_239 = arith.addi %mul3A_237, %add3A_238 : i32
      %broadcast_in_dim3A_240 = vector.broadcast %add3A_239 : i32 to vector<16xi32>
      %mul3A_241 = arith.constant 4 : i32
      %mul3A_242 = arith.muli %arg0, %mul3A_241 : i32
      %add3A_243 = arith.constant 1 : i32
      %add3A_244 = arith.addi %mul3A_242, %add3A_243 : i32
      %broadcast_in_dim3A_245 = vector.broadcast %add3A_244 : i32 to vector<16xi32>
      %mul3A_246 = arith.constant 4 : i32
      %mul3A_247 = arith.muli %arg0, %mul3A_246 : i32
      %add3A_248 = arith.constant 2 : i32
      %add3A_249 = arith.addi %mul3A_247, %add3A_248 : i32
      %broadcast_in_dim3A_250 = vector.broadcast %add3A_249 : i32 to vector<16xi32>
      %mul3A_251 = arith.constant 4 : i32
      %mul3A_252 = arith.muli %arg0, %mul3A_251 : i32
      %add3A_253 = arith.constant 3 : i32
      %add3A_254 = arith.addi %mul3A_252, %add3A_253 : i32
      %broadcast_in_dim3A_255 = vector.broadcast %add3A_254 : i32 to vector<16xi32>
      %add3A_256 = arith.constant 1 : i32
      %add3A_257 = arith.addi %mul3A_42, %add3A_256 : i32
      %ge3A_258 = arith.constant 40 : i32
      %ge3A_259 = arith.cmpi sge, %add3A_257, %ge3A_258 : i32
      %xor3A_260 = arith.xori %eq3A_0, %ge3A_259 : i1
      %convert_element_type3A_261 = arith.extui %xor3A_260 : i1 to i32
      %cond3A_262 = arith.constant 0 : i32
      %cond3A_263 = arith.cmpi ne, %convert_element_type3A_261, %cond3A_262 : i32
      scf.if %cond3A_263 {
        %run_scoped3A_265 = arith.constant 0 : i32
        "tpu.region"() ({
          %run_scoped3A_266 = tpu.sem_alloc : memref<!tpu.dma_semaphore, #tpu.memory_space<semaphore_mem>>
          %dma_start3A_267 = arith.constant 0 : i32
          %dma_start3A_268 = tpu.memref_slice %arg10[%run_scoped3A_265, %dma_start3A_267] : memref<2x256xi32, #tpu.memory_space<vmem>> -> memref<1x256xi32, #tpu.memory_space<vmem>>
          %dma_start3A_269 = tpu.memref_squeeze %dma_start3A_268 : memref<1x256xi32, #tpu.memory_space<vmem>> -> memref<256xi32, #tpu.memory_space<vmem>>
          %dma_start3A_270 = arith.constant 0 : i32
          %dma_start3A_271 = arith.constant 0 : i32
          %dma_start3A_272 = tpu.memref_slice %arg21[%dma_start3A_270, %dma_start3A_271] : memref<10000x16xf32, #tpu.memory_space<vmem_shared>> -> memref<10000x16xf32, #tpu.memory_space<vmem_shared>>
          tpu.enqueue_indirect_dma source(%arg16 : memref<256x16xf32, #tpu.memory_space<vmem>>) target(%dma_start3A_272 : memref<10000x16xf32, #tpu.memory_space<vmem_shared>>) offsets(%dma_start3A_269 : memref<256xi32, #tpu.memory_space<vmem>>) semaphore(%run_scoped3A_266 : memref<!tpu.dma_semaphore, #tpu.memory_space<semaphore_mem>>) {add = true}
          %dma_wait3A_273 = arith.constant 0 : i32
          %dma_wait3A_274 = tpu.memref_slice %arg10[%run_scoped3A_265, %dma_wait3A_273] : memref<2x256xi32, #tpu.memory_space<vmem>> -> memref<1x256xi32, #tpu.memory_space<vmem>>
          %dma_wait3A_275 = tpu.memref_squeeze %dma_wait3A_274 : memref<1x256xi32, #tpu.memory_space<vmem>> -> memref<256xi32, #tpu.memory_space<vmem>>
          %dma_wait3A_276 = arith.constant 0 : i32
          %dma_wait3A_277 = arith.constant 0 : i32
          %dma_wait3A_278 = tpu.memref_slice %arg21[%dma_wait3A_276, %dma_wait3A_277] : memref<10000x16xf32, #tpu.memory_space<vmem_shared>> -> memref<10000x16xf32, #tpu.memory_space<vmem_shared>>
          tpu.wait_indirect_dma semaphore(%run_scoped3A_266 : memref<!tpu.dma_semaphore, #tpu.memory_space<semaphore_mem>>) src(%arg16 : memref<256x16xf32, #tpu.memory_space<vmem>>) dst(%dma_wait3A_278 : memref<10000x16xf32, #tpu.memory_space<vmem_shared>>)
          tpu.yield
        }) : () -> ()
      } else {
      }
      %run_scoped3A_264 = arith.constant 0 : i32
      "tpu.region"() ({
        %run_scoped3A_265 = tpu.sem_alloc : memref<!tpu.dma_semaphore, #tpu.memory_space<semaphore_mem>>
        %dma_start3A_266 = arith.constant 0 : i32
        %dma_start3A_267 = tpu.memref_slice %arg10[%run_scoped3A_264, %dma_start3A_266] : memref<2x256xi32, #tpu.memory_space<vmem>> -> memref<1x256xi32, #tpu.memory_space<vmem>>
        %dma_start3A_268 = tpu.memref_squeeze %dma_start3A_267 : memref<1x256xi32, #tpu.memory_space<vmem>> -> memref<256xi32, #tpu.memory_space<vmem>>
        %dma_start3A_269 = arith.constant 0 : i32
        %dma_start3A_270 = arith.constant 0 : i32
        %dma_start3A_271 = tpu.memref_slice %arg20[%dma_start3A_269, %dma_start3A_270] : memref<10000x64xf32, #tpu.memory_space<vmem_shared>> -> memref<10000x64xf32, #tpu.memory_space<vmem_shared>>
        tpu.enqueue_indirect_dma source(%arg19 : memref<256x64xf32, #tpu.memory_space<vmem>>) target(%dma_start3A_271 : memref<10000x64xf32, #tpu.memory_space<vmem_shared>>) offsets(%dma_start3A_268 : memref<256xi32, #tpu.memory_space<vmem>>) semaphore(%run_scoped3A_265 : memref<!tpu.dma_semaphore, #tpu.memory_space<semaphore_mem>>) {add = true}
        %dma_wait3A_272 = arith.constant 0 : i32
        %dma_wait3A_273 = tpu.memref_slice %arg10[%run_scoped3A_264, %dma_wait3A_272] : memref<2x256xi32, #tpu.memory_space<vmem>> -> memref<1x256xi32, #tpu.memory_space<vmem>>
        %dma_wait3A_274 = tpu.memref_squeeze %dma_wait3A_273 : memref<1x256xi32, #tpu.memory_space<vmem>> -> memref<256xi32, #tpu.memory_space<vmem>>
        %dma_wait3A_275 = arith.constant 0 : i32
        %dma_wait3A_276 = arith.constant 0 : i32
        %dma_wait3A_277 = tpu.memref_slice %arg20[%dma_wait3A_275, %dma_wait3A_276] : memref<10000x64xf32, #tpu.memory_space<vmem_shared>> -> memref<10000x64xf32, #tpu.memory_space<vmem_shared>>
        tpu.wait_indirect_dma semaphore(%run_scoped3A_265 : memref<!tpu.dma_semaphore, #tpu.memory_space<semaphore_mem>>) src(%arg19 : memref<256x64xf32, #tpu.memory_space<vmem>>) dst(%dma_wait3A_277 : memref<10000x64xf32, #tpu.memory_space<vmem_shared>>)
        tpu.yield
      }) : () -> ()
    }
    %scan3A_33 = arith.constant 40 : i32
    %barrier3A_34 = arith.constant 0 : index
    tpu.barrier barrier_id(%barrier3A_34)
    "tpu.region"() ({
      %run_scoped3A_40 = tpu.sem_alloc : memref<!tpu.dma_semaphore, #tpu.memory_space<semaphore_mem>>
      %dma_start3A_41 = arith.constant 0 : i32
      %dma_start3A_42 = tpu.memref_slice %arg7[%arg0, %mul3A_1, %dma_start3A_41] : memref<2x10000x64xf32, #tpu.memory_space<hbm>> -> memref<1x624x64xf32, #tpu.memory_space<hbm>>
      %dma_start3A_43 = tpu.memref_squeeze %dma_start3A_42 : memref<1x624x64xf32, #tpu.memory_space<hbm>> -> memref<624x64xf32, #tpu.memory_space<hbm>>
      %dma_start3A_44 = arith.constant 0 : i32
      %dma_start3A_45 = tpu.memref_slice %arg20[%mul3A_1, %dma_start3A_44] : memref<10000x64xf32, #tpu.memory_space<vmem_shared>> -> memref<624x64xf32, #tpu.memory_space<vmem_shared>>
      tpu.enqueue_dma source(%dma_start3A_45 : memref<624x64xf32, #tpu.memory_space<vmem_shared>>) target(%dma_start3A_43 : memref<624x64xf32, #tpu.memory_space<hbm>>) target_semaphore(%run_scoped3A_40 : memref<!tpu.dma_semaphore, #tpu.memory_space<semaphore_mem>>)
      %dma_wait3A = arith.constant 0 : i32
      %dma_wait3A_46 = tpu.memref_slice %arg7[%arg0, %mul3A_1, %dma_wait3A] : memref<2x10000x64xf32, #tpu.memory_space<hbm>> -> memref<1x624x64xf32, #tpu.memory_space<hbm>>
      %dma_wait3A_47 = tpu.memref_squeeze %dma_wait3A_46 : memref<1x624x64xf32, #tpu.memory_space<hbm>> -> memref<624x64xf32, #tpu.memory_space<hbm>>
      %dma_wait3A_48 = arith.constant 0 : i32
      %dma_wait3A_49 = tpu.memref_slice %arg20[%mul3A_1, %dma_wait3A_48] : memref<10000x64xf32, #tpu.memory_space<vmem_shared>> -> memref<624x64xf32, #tpu.memory_space<vmem_shared>>
      tpu.wait_dma2 semaphore(%run_scoped3A_40 : memref<!tpu.dma_semaphore, #tpu.memory_space<semaphore_mem>>) src(%dma_wait3A_49 : memref<624x64xf32, #tpu.memory_space<vmem_shared>>) dst(%dma_wait3A_47 : memref<624x64xf32, #tpu.memory_space<hbm>>)
      tpu.yield
    }) : () -> ()
    "tpu.region"() ({
      %run_scoped3A_40 = tpu.sem_alloc : memref<!tpu.dma_semaphore, #tpu.memory_space<semaphore_mem>>
      %dma_start3A_41 = arith.constant 0 : i32
      %dma_start3A_42 = tpu.memref_slice %arg8[%arg0, %mul3A_1, %dma_start3A_41] : memref<2x10000x16xf32, #tpu.memory_space<hbm>> -> memref<1x624x16xf32, #tpu.memory_space<hbm>>
      %dma_start3A_43 = tpu.memref_squeeze %dma_start3A_42 : memref<1x624x16xf32, #tpu.memory_space<hbm>> -> memref<624x16xf32, #tpu.memory_space<hbm>>
      %dma_start3A_44 = arith.constant 0 : i32
      %dma_start3A_45 = tpu.memref_slice %arg21[%mul3A_1, %dma_start3A_44] : memref<10000x16xf32, #tpu.memory_space<vmem_shared>> -> memref<624x16xf32, #tpu.memory_space<vmem_shared>>
      tpu.enqueue_dma source(%dma_start3A_45 : memref<624x16xf32, #tpu.memory_space<vmem_shared>>) target(%dma_start3A_43 : memref<624x16xf32, #tpu.memory_space<hbm>>) target_semaphore(%run_scoped3A_40 : memref<!tpu.dma_semaphore, #tpu.memory_space<semaphore_mem>>)
      %dma_wait3A = arith.constant 0 : i32
      %dma_wait3A_46 = tpu.memref_slice %arg8[%arg0, %mul3A_1, %dma_wait3A] : memref<2x10000x16xf32, #tpu.memory_space<hbm>> -> memref<1x624x16xf32, #tpu.memory_space<hbm>>
      %dma_wait3A_47 = tpu.memref_squeeze %dma_wait3A_46 : memref<1x624x16xf32, #tpu.memory_space<hbm>> -> memref<624x16xf32, #tpu.memory_space<hbm>>
      %dma_wait3A_48 = arith.constant 0 : i32
      %dma_wait3A_49 = tpu.memref_slice %arg21[%mul3A_1, %dma_wait3A_48] : memref<10000x16xf32, #tpu.memory_space<vmem_shared>> -> memref<624x16xf32, #tpu.memory_space<vmem_shared>>
      tpu.wait_dma2 semaphore(%run_scoped3A_40 : memref<!tpu.dma_semaphore, #tpu.memory_space<semaphore_mem>>) src(%dma_wait3A_49 : memref<624x16xf32, #tpu.memory_space<vmem_shared>>) dst(%dma_wait3A_47 : memref<624x16xf32, #tpu.memory_space<hbm>>)
      tpu.yield
    }) : () -> ()
    %eq3A_35 = arith.constant 0 : i32
    %eq3A_36 = arith.cmpi eq, %arg1, %eq3A_35 : i32
    %convert_element_type3A_37 = arith.extui %eq3A_36 : i1 to i32
    %cond3A_38 = arith.constant 0 : i32
    %cond3A_39 = arith.cmpi ne, %convert_element_type3A_37, %cond3A_38 : i32
    scf.if %cond3A_39 {
      "tpu.region"() ({
        %run_scoped3A_40 = tpu.sem_alloc : memref<!tpu.dma_semaphore, #tpu.memory_space<semaphore_mem>>
        %dma_start3A_41 = arith.constant 9984 : i32
        %dma_start3A_42 = arith.constant 0 : i32
        %dma_start3A_43 = tpu.memref_slice %arg7[%arg0, %dma_start3A_41, %dma_start3A_42] : memref<2x10000x64xf32, #tpu.memory_space<hbm>> -> memref<1x16x64xf32, #tpu.memory_space<hbm>>
        %dma_start3A_44 = tpu.memref_squeeze %dma_start3A_43 : memref<1x16x64xf32, #tpu.memory_space<hbm>> -> memref<16x64xf32, #tpu.memory_space<hbm>>
        %dma_start3A_45 = arith.constant 9984 : i32
        %dma_start3A_46 = arith.constant 0 : i32
        %dma_start3A_47 = tpu.memref_slice %arg20[%dma_start3A_45, %dma_start3A_46] : memref<10000x64xf32, #tpu.memory_space<vmem_shared>> -> memref<16x64xf32, #tpu.memory_space<vmem_shared>>
        tpu.enqueue_dma source(%dma_start3A_47 : memref<16x64xf32, #tpu.memory_space<vmem_shared>>) target(%dma_start3A_44 : memref<16x64xf32, #tpu.memory_space<hbm>>) target_semaphore(%run_scoped3A_40 : memref<!tpu.dma_semaphore, #tpu.memory_space<semaphore_mem>>)
        %dma_wait3A = arith.constant 9984 : i32
        %dma_wait3A_48 = arith.constant 0 : i32
        %dma_wait3A_49 = tpu.memref_slice %arg7[%arg0, %dma_wait3A, %dma_wait3A_48] : memref<2x10000x64xf32, #tpu.memory_space<hbm>> -> memref<1x16x64xf32, #tpu.memory_space<hbm>>
        %dma_wait3A_50 = tpu.memref_squeeze %dma_wait3A_49 : memref<1x16x64xf32, #tpu.memory_space<hbm>> -> memref<16x64xf32, #tpu.memory_space<hbm>>
        %dma_wait3A_51 = arith.constant 9984 : i32
        %dma_wait3A_52 = arith.constant 0 : i32
        %dma_wait3A_53 = tpu.memref_slice %arg20[%dma_wait3A_51, %dma_wait3A_52] : memref<10000x64xf32, #tpu.memory_space<vmem_shared>> -> memref<16x64xf32, #tpu.memory_space<vmem_shared>>
        tpu.wait_dma2 semaphore(%run_scoped3A_40 : memref<!tpu.dma_semaphore, #tpu.memory_space<semaphore_mem>>) src(%dma_wait3A_53 : memref<16x64xf32, #tpu.memory_space<vmem_shared>>) dst(%dma_wait3A_50 : memref<16x64xf32, #tpu.memory_space<hbm>>)
        tpu.yield
      }) : () -> ()
      "tpu.region"() ({
        %run_scoped3A_40 = tpu.sem_alloc : memref<!tpu.dma_semaphore, #tpu.memory_space<semaphore_mem>>
        %dma_start3A_41 = arith.constant 9984 : i32
        %dma_start3A_42 = arith.constant 0 : i32
        %dma_start3A_43 = tpu.memref_slice %arg8[%arg0, %dma_start3A_41, %dma_start3A_42] : memref<2x10000x16xf32, #tpu.memory_space<hbm>> -> memref<1x16x16xf32, #tpu.memory_space<hbm>>
        %dma_start3A_44 = tpu.memref_squeeze %dma_start3A_43 : memref<1x16x16xf32, #tpu.memory_space<hbm>> -> memref<16x16xf32, #tpu.memory_space<hbm>>
        %dma_start3A_45 = arith.constant 9984 : i32
        %dma_start3A_46 = arith.constant 0 : i32
        %dma_start3A_47 = tpu.memref_slice %arg21[%dma_start3A_45, %dma_start3A_46] : memref<10000x16xf32, #tpu.memory_space<vmem_shared>> -> memref<16x16xf32, #tpu.memory_space<vmem_shared>>
        tpu.enqueue_dma source(%dma_start3A_47 : memref<16x16xf32, #tpu.memory_space<vmem_shared>>) target(%dma_start3A_44 : memref<16x16xf32, #tpu.memory_space<hbm>>) target_semaphore(%run_scoped3A_40 : memref<!tpu.dma_semaphore, #tpu.memory_space<semaphore_mem>>)
        %dma_wait3A = arith.constant 9984 : i32
        %dma_wait3A_48 = arith.constant 0 : i32
        %dma_wait3A_49 = tpu.memref_slice %arg8[%arg0, %dma_wait3A, %dma_wait3A_48] : memref<2x10000x16xf32, #tpu.memory_space<hbm>> -> memref<1x16x16xf32, #tpu.memory_space<hbm>>
        %dma_wait3A_50 = tpu.memref_squeeze %dma_wait3A_49 : memref<1x16x16xf32, #tpu.memory_space<hbm>> -> memref<16x16xf32, #tpu.memory_space<hbm>>
        %dma_wait3A_51 = arith.constant 9984 : i32
        %dma_wait3A_52 = arith.constant 0 : i32
        %dma_wait3A_53 = tpu.memref_slice %arg21[%dma_wait3A_51, %dma_wait3A_52] : memref<10000x16xf32, #tpu.memory_space<vmem_shared>> -> memref<16x16xf32, #tpu.memory_space<vmem_shared>>
        tpu.wait_dma2 semaphore(%run_scoped3A_40 : memref<!tpu.dma_semaphore, #tpu.memory_space<semaphore_mem>>) src(%dma_wait3A_53 : memref<16x16xf32, #tpu.memory_space<vmem_shared>>) dst(%dma_wait3A_50 : memref<16x16xf32, #tpu.memory_space<hbm>>)
        tpu.yield
      }) : () -> ()
    } else {
    }
    return
  }
}

module attributes {stable_mosaic.version = 14 : i64} {
  func.func @_proj_body(%arg0: memref<10000x128xf32, #tpu.memory_space<vmem>>, %arg1: memref<128x128xf32, #tpu.memory_space<vmem>>, %arg2: memref<1x128xf32, #tpu.memory_space<vmem>>, %arg3: memref<128x16xf32, #tpu.memory_space<vmem>>, %arg4: memref<10000x128xf32, #tpu.memory_space<vmem>>, %arg5: memref<2x10000x64xf32, #tpu.memory_space<vmem>>, %arg6: memref<10000x16xf32, #tpu.memory_space<vmem>>) attributes {dimension_semantics = [], scalar_prefetch = 0 : i64, scratch_operands = 0 : i64, tpu.core_type = #tpu.core_type<tc>} {
    %get3A = arith.constant 0 : index
    %get3A_0 = arith.constant 0 : index
    %get3A_1 = vector.load %arg0[%get3A, %get3A_0] : memref<10000x128xf32, #tpu.memory_space<vmem>>, vector<10000x128xf32>
    %get3A_2 = arith.constant 0 : index
    %get3A_3 = arith.constant 0 : index
    %get3A_4 = vector.load %arg1[%get3A_2, %get3A_3] : memref<128x128xf32, #tpu.memory_space<vmem>>, vector<128x128xf32>
    %dot_general3A = arith.constant dense<0.000000e+00> : vector<10000x128xf32>
    %dot_general3A_5 = tpu.matmul %get3A_1, %get3A_4, %dot_general3A {dimension_numbers = #tpu.dot_dimension_numbers<[1], [0], [0], [1], [0, 0, 1, 1], [], []>, transpose_lhs_hint = false} : vector<10000x128xf32>, vector<128x128xf32>, vector<10000x128xf32> -> vector<10000x128xf32>
    %get3A_6 = arith.constant 0 : index
    %get3A_7 = arith.constant 0 : index
    %get3A_8 = vector.load %arg2[%get3A_6, %get3A_7] : memref<1x128xf32, #tpu.memory_space<vmem>>, vector<1x128xf32>
    %add3A = vector.broadcast %get3A_8 : vector<1x128xf32> to vector<10000x128xf32>
    %add3A_9 = arith.addf %dot_general3A_5, %add3A : vector<10000x128xf32>
    %swap3A = arith.constant 0 : index
    %swap3A_10 = arith.constant 0 : index
    %swap3A_11 = vector.load %arg4[%swap3A, %swap3A_10] : memref<10000x128xf32, #tpu.memory_space<vmem>>, vector<10000x128xf32>
    tpu.vector_store %arg4[%swap3A, %swap3A_10], %add3A_9 {strides = array<i32>} : memref<10000x128xf32, #tpu.memory_space<vmem>>, vector<10000x128xf32>,
    %slice3A = vector.extract_strided_slice %add3A_9 {offsets = [0, 0], sizes = [10000, 64], strides = [1, 1]} : vector<10000x128xf32> to vector<10000x64xf32>
    %swap3A_12 = arith.constant 0 : index
    %swap3A_13 = arith.constant 0 : index
    %swap3A_14 = arith.constant 0 : index
    %swap3A_15 = vector.load %arg5[%swap3A_12, %swap3A_13, %swap3A_14] : memref<2x10000x64xf32, #tpu.memory_space<vmem>>, vector<1x10000x64xf32>
    %swap3A_16 = vector.shape_cast %swap3A_15 : vector<1x10000x64xf32> to vector<10000x64xf32>
    %swap3A_17 = vector.shape_cast %slice3A : vector<10000x64xf32> to vector<1x10000x64xf32>
    tpu.vector_store %arg5[%swap3A_12, %swap3A_13, %swap3A_14], %swap3A_17 {strides = array<i32>} : memref<2x10000x64xf32, #tpu.memory_space<vmem>>, vector<1x10000x64xf32>,
    %slice3A_18 = vector.extract_strided_slice %add3A_9 {offsets = [0, 64], sizes = [10000, 64], strides = [1, 1]} : vector<10000x128xf32> to vector<10000x64xf32>
    %swap3A_19 = arith.constant 1 : index
    %swap3A_20 = arith.constant 0 : index
    %swap3A_21 = arith.constant 0 : index
    %swap3A_22 = vector.load %arg5[%swap3A_19, %swap3A_20, %swap3A_21] : memref<2x10000x64xf32, #tpu.memory_space<vmem>>, vector<1x10000x64xf32>
    %swap3A_23 = vector.shape_cast %swap3A_22 : vector<1x10000x64xf32> to vector<10000x64xf32>
    %swap3A_24 = vector.shape_cast %slice3A_18 : vector<10000x64xf32> to vector<1x10000x64xf32>
    tpu.vector_store %arg5[%swap3A_19, %swap3A_20, %swap3A_21], %swap3A_24 {strides = array<i32>} : memref<2x10000x64xf32, #tpu.memory_space<vmem>>, vector<1x10000x64xf32>,
    %get3A_25 = arith.constant 0 : index
    %get3A_26 = arith.constant 0 : index
    %get3A_27 = vector.load %arg3[%get3A_25, %get3A_26] : memref<128x16xf32, #tpu.memory_space<vmem>>, vector<128x16xf32>
    %dot_general3A_28 = arith.constant dense<0.000000e+00> : vector<10000x16xf32>
    %dot_general3A_29 = tpu.matmul %add3A_9, %get3A_27, %dot_general3A_28 {dimension_numbers = #tpu.dot_dimension_numbers<[1], [0], [0], [1], [0, 0, 1, 1], [], []>, transpose_lhs_hint = false} : vector<10000x128xf32>, vector<128x16xf32>, vector<10000x16xf32> -> vector<10000x16xf32>
    %swap3A_30 = arith.constant 0 : index
    %swap3A_31 = arith.constant 0 : index
    %swap3A_32 = vector.load %arg6[%swap3A_30, %swap3A_31] : memref<10000x16xf32, #tpu.memory_space<vmem>>, vector<10000x16xf32>
    tpu.vector_store %arg6[%swap3A_30, %swap3A_31], %dot_general3A_29 {strides = array<i32>} : memref<10000x16xf32, #tpu.memory_space<vmem>>, vector<10000x16xf32>,
    return
  }
}

module attributes {stable_mosaic.version = 14 : i64} {
  func.func @_fin_body(%arg0: memref<2x10000x64xf32, #tpu.memory_space<vmem>>, %arg1: memref<2x10000x16xf32, #tpu.memory_space<vmem>>, %arg2: memref<10000x128xf32, #tpu.memory_space<vmem>>, %arg3: memref<8x128xf32, #tpu.memory_space<vmem>>, %arg4: memref<10000x128xf32, #tpu.memory_space<vmem>>) attributes {dimension_semantics = [], scalar_prefetch = 0 : i64, scratch_operands = 0 : i64, tpu.core_type = #tpu.core_type<tc>} {
    %get3A = arith.constant 0 : index
    %get3A_0 = arith.constant 0 : index
    %get3A_1 = arith.constant 0 : index
    %get3A_2 = vector.load %arg0[%get3A, %get3A_0, %get3A_1] : memref<2x10000x64xf32, #tpu.memory_space<vmem>>, vector<1x10000x64xf32>
    %get3A_3 = vector.shape_cast %get3A_2 : vector<1x10000x64xf32> to vector<10000x64xf32>
    %get3A_4 = arith.constant 1 : index
    %get3A_5 = arith.constant 0 : index
    %get3A_6 = arith.constant 0 : index
    %get3A_7 = vector.load %arg0[%get3A_4, %get3A_5, %get3A_6] : memref<2x10000x64xf32, #tpu.memory_space<vmem>>, vector<1x10000x64xf32>
    %get3A_8 = vector.shape_cast %get3A_7 : vector<1x10000x64xf32> to vector<10000x64xf32>
    %concatenate3A = tpu.concatenate %get3A_3, %get3A_8 in 1 : vector<10000x64xf32>, vector<10000x64xf32> -> vector<10000x128xf32>
    %get3A_9 = arith.constant 0 : index
    %get3A_10 = arith.constant 0 : index
    %get3A_11 = arith.constant 0 : index
    %get3A_12 = vector.load %arg1[%get3A_9, %get3A_10, %get3A_11] : memref<2x10000x16xf32, #tpu.memory_space<vmem>>, vector<1x10000x16xf32>
    %get3A_13 = vector.shape_cast %get3A_12 : vector<1x10000x16xf32> to vector<10000x16xf32>
    %get3A_14 = arith.constant 1 : index
    %get3A_15 = arith.constant 0 : index
    %get3A_16 = arith.constant 0 : index
    %get3A_17 = vector.load %arg1[%get3A_14, %get3A_15, %get3A_16] : memref<2x10000x16xf32, #tpu.memory_space<vmem>>, vector<1x10000x16xf32>
    %get3A_18 = vector.shape_cast %get3A_17 : vector<1x10000x16xf32> to vector<10000x16xf32>
    %add3A = arith.addf %get3A_13, %get3A_18 : vector<10000x16xf32>
    %slice3A = vector.extract_strided_slice %add3A {offsets = [0, 0], sizes = [10000, 8], strides = [1, 1]} : vector<10000x16xf32> to vector<10000x8xf32>
    %gt3A = arith.constant 0.000000e+00 : f32
    %gt3A_19 = vector.broadcast %gt3A : f32 to vector<10000x8xf32>
    %gt3A_20 = arith.cmpf ogt, %slice3A, %gt3A_19 : vector<10000x8xf32>
    %jit3A = arith.constant 1.000000e+00 : f32
    %broadcast_in_dim3A = vector.broadcast %jit3A : f32 to vector<10000x8xf32>
    %select_n3A = arith.select %gt3A_20, %slice3A, %broadcast_in_dim3A : vector<10000x8xi1>, vector<10000x8xf32>
    %div3A = arith.constant 1.000000e+00 : f32
    %div3A_21 = vector.broadcast %div3A : f32 to vector<10000x8xf32>
    %div3A_22 = arith.divf %div3A_21, %select_n3A : vector<10000x8xf32>
    %get3A_23 = arith.constant 0 : index
    %get3A_24 = arith.constant 0 : index
    %get3A_25 = vector.load %arg3[%get3A_23, %get3A_24] : memref<8x128xf32, #tpu.memory_space<vmem>>, vector<8x128xf32>
    %dot_general3A = arith.constant dense<0.000000e+00> : vector<10000x128xf32>
    %dot_general3A_26 = tpu.matmul %div3A_22, %get3A_25, %dot_general3A {dimension_numbers = #tpu.dot_dimension_numbers<[1], [0], [0], [1], [0, 0, 1, 1], [], []>, transpose_lhs_hint = false} : vector<10000x8xf32>, vector<8x128xf32>, vector<10000x128xf32> -> vector<10000x128xf32>
    %mul3A = arith.mulf %concatenate3A, %dot_general3A_26 : vector<10000x128xf32>
    %get3A_27 = arith.constant 0 : index
    %get3A_28 = arith.constant 0 : index
    %get3A_29 = vector.load %arg2[%get3A_27, %get3A_28] : memref<10000x128xf32, #tpu.memory_space<vmem>>, vector<10000x128xf32>
    %add3A_30 = arith.addf %mul3A, %get3A_29 : vector<10000x128xf32>
    %swap3A = arith.constant 0 : index
    %swap3A_31 = arith.constant 0 : index
    %swap3A_32 = vector.load %arg4[%swap3A, %swap3A_31] : memref<10000x128xf32, #tpu.memory_space<vmem>>, vector<10000x128xf32>
    tpu.vector_store %arg4[%swap3A, %swap3A_31], %add3A_30 {strides = array<i32>} : memref<10000x128xf32, #tpu.memory_space<vmem>>, vector<10000x128xf32>,
    return
  }
}

</mosaic_0001>

<sc_bundles>
// kernel: kernel.5.cloned.1.call-start
scs
__scs_entry_jumppad:
0x0: {  	(pc) =	sbr.rel $0x88, $3  }
0x1: {  	(tag) =	ssettag $0x0;
	lr =	simm.s32 $0x1  }
0x2: {  	[smem:$0x3F9B] =	sst lr;
	_ =	strace $0xD0000000  }
0x3: {  	_ = 	snop  }
0x4: {  	_ = 	snop  }
0x5: {  	_ = 	snop  }
0x6: {  	_ = 	snop  }
0x7: {  	_ = 	snop  }
__scs_overlays_trampoline_lowered:
0x8: {  	[smem:$0x3FAA] =	sst s0  }
0x9: {  	[smem:$0x3FAB] =	sst s1  }
0xa: {  	[smem:$0x3FAC] =	sst s2  }
0xb: {  	[smem:$0x3FAD] =	sst s3  }
0xc: {  	[smem:$0x3FAE] =	sst s4  }
0xd: {  	[smem:$0x3FAF] =	sst s5  }
0xe: {  	[smem:$0x3FB0] =	sst s6  }
0xf: {  	[smem:$0x3FB1] =	sst s7  }
0x10: {  	[smem:$0x3FB2] =	sst s8  }
0x11: {  	[smem:$0x3FB3] =	sst s9;
	s0 =	simm.s32 @!p0 $0x0  }
0x12: {  	s1 =	sld [smem:$0x3F99];
	s0 =	simm.s32 @p0 $0x1  }
0x13: {  	[smem:$0x3FB4] =	sst s0;
	s0 =	simm.s32 @!p1 $0x0  }
0x14: {  	s2 =	sld [smem:$0x3F98];
	s0 =	simm.s32 @p1 $0x1  }
0x15: {  	[smem:$0x3FB5] =	sst s0;
	s0 =	simm.s32 @!p2 $0x0  }
0x16: {  	s3 =	sld [smem:$0x3FDB];
	s0 =	simm.s32 @p2 $0x1  }
0x17: {  	s4 =	simm.s32 $0x1BF5;
	[smem:$0x3FB7] =	sst s0  }
0x18: {  	s0 =	sld [smem:$0x3F9A];
	_ =	swait.ge [sflag:s4], $0x0  }
0x19: {  	s7 =	sld [smem:$0x3F9B]  }
0x1a: {  	s8 =	sadd.s32 $0xFFFFE003, lr  }
0x1b: {  	s9 =	sadd.s32 $0xFFFFFEF7, lr;
	s5 =	simm.s32 $0xFFFFFFFF;
	p2 =	slt.u32 s8, $0xFFFFF086  }
0x1c: {  	p1 =	slt.u32 s9, $0xF7A;
	s5 =	simm.s32 @!p2 $0x0  }
0x1d: {  	s5 =	simm.s32 @p1 $0x1;
	p0 =	seq.s32 s7, s2  }
0x1e: {  	s7 =	smul.u32 @!p0 $0xF7A, s2;
	p2 =	seq.s32 @!p0 s5, $0x0  }
0x1f: {  	s9 =	smul.u32 $0xF7A, s1;
	s8 =	simm.s32 @!p0 $0x1BF5;
	p2 =	por !p2, p0  }
0x20: {  	[sflag:s8] =	ssyncset.s32 @!p0 $0xFFFFF086;
	s6 =	sadd.s32 @!p0 s3, s7;
	s7 =	simm.s32 @!p0 $0x108  }
0x21: {  	s3 =	sadd.s32 s3, s9;
	s6 =	sadd.s32 @!p0 $0x88, s6;
	s7 =	simm.s32 @p2 $0x1082  }
0x22: {  	[simem:s7], [sflag:s8] =	dma.local @!p0 [hbm:s6], $0xF7A  }
0x23: {  	s9 =	sor.u32 $0xD0000000, s2;
	s6 =	simm.s32 $0x108;
	_ =	swait.ge @!p0 [sflag:s8], $0x0  }
0x24: {  	s3 =	sadd.s32 $0x88, s3;
	s6 =	simm.s32 @!p1 $0x1082;
	[sflag:s4] =	ssyncset.s32 $0xFFFFF086  }
0x25: {  	[simem:s6], [sflag:s4] =	dma.local [hbm:s3], $0xF7A  }
0x26: {  	[smem:$0x3F9B] =	sst s1;
	(tag) =	ssettag s2;
	_ =	strace s9  }
0x27: {  	s1 =	sld [smem:$0x3FAB]  }
0x28: {  	s2 =	sld [smem:$0x3FAC]  }
0x29: {  	s4 =	sld [smem:$0x3FAE]  }
0x2a: {  	p0 =	seq.s32 s5, $0x0;
	s5 =	sld [smem:$0x3FAF]  }
0x2b: {  	s6 =	sld [smem:$0x3FB0]  }
0x2c: {  	s7 =	sld [smem:$0x3FB1]  }
0x2d: {  	s3 =	simm.s32 $0x108;
	s8 =	sld [smem:$0x3FB2]  }
0x2e: {  	s3 =	simm.s32 @!p0 $0x1082;
	s9 =	sld [smem:$0x3FB3]  }
0x2f: {  	lr =	sadd.s32 s0, s3;
	s0 =	sld [smem:$0x3FAA]  }
0x30: {  	s3 =	sld [smem:$0x3FAD]  }
0x31: {  	[smem:$0x3FB6] =	sst s10  }
0x32: {  	s10 =	sld [smem:$0x3FB4];
	_ =	sdelay $0x3  }
0x33: {  	p0 =	seq.s32 s10, $0x1;
	s10 =	sld [smem:$0x3FB6];
	_ =	sdelay $0x3  }
0x34: {  	[smem:$0x3FB6] =	sst s10  }
0x35: {  	s10 =	sld [smem:$0x3FB5];
	_ =	sdelay $0x3  }
0x36: {  	p1 =	seq.s32 s10, $0x1;
	s10 =	sld [smem:$0x3FB6];
	_ =	sdelay $0x3  }
0x37: {  	[smem:$0x3FB6] =	sst s10  }
0x38: {  	s10 =	sld [smem:$0x3FB7]  }
0x39: {  	_ = 	snop;
	(pc) =	sbr.ind lr, $3  }
0x3a: {  	_ = 	snop  }
0x3b: {  	_ = 	snop  }
0x3c: {  	p2 =	seq.s32 s10, $0x1;
	s10 =	sld [smem:$0x3FB6]  }
0x3d: {  	_ =	shalt  }
0x3e: {  	_ =	shalt  }
0x3f: {  	_ =	shalt  }
0x40: {  	_ =	shalt  }
0x41: {  	_ =	shalt  }
0x42: {  	_ =	shalt  }
0x43: {  	_ =	shalt  }
0x44: {  	_ =	shalt  }
0x45: {  	_ =	shalt  }
0x46: {  	_ =	shalt  }
0x47: {  	_ =	shalt  }
0x48: {  	_ =	shalt  }
0x49: {  	_ =	shalt  }
0x4a: {  	_ =	shalt  }
0x4b: {  	_ =	shalt  }
0x4c: {  	_ =	shalt  }
0x4d: {  	_ =	shalt  }
0x4e: {  	_ =	shalt  }
0x4f: {  	_ =	shalt  }
0x50: {  	_ =	shalt  }
0x51: {  	_ =	shalt  }
0x52: {  	_ =	shalt  }
0x53: {  	_ =	shalt  }
0x54: {  	_ =	shalt  }
0x55: {  	_ =	shalt  }
0x56: {  	_ =	shalt  }
0x57: {  	_ =	shalt  }
0x58: {  	_ =	shalt  }
0x59: {  	_ =	shalt  }
0x5a: {  	_ =	shalt  }
0x5b: {  	_ =	shalt  }
0x5c: {  	_ =	shalt  }
0x5d: {  	_ =	shalt  }
0x5e: {  	_ =	shalt  }
0x5f: {  	_ =	shalt  }
0x60: {  	_ =	shalt  }
0x61: {  	_ =	shalt  }
0x62: {  	_ =	shalt  }
0x63: {  	_ =	shalt  }
0x64: {  	_ =	shalt  }
0x65: {  	_ =	shalt  }
0x66: {  	_ =	shalt  }
0x67: {  	_ =	shalt  }
0x68: {  	_ =	shalt  }
0x69: {  	_ =	shalt  }
0x6a: {  	_ =	shalt  }
0x6b: {  	_ =	shalt  }
0x6c: {  	_ =	shalt  }
0x6d: {  	_ =	shalt  }
0x6e: {  	_ =	shalt  }
0x6f: {  	_ =	shalt  }
0x70: {  	_ =	shalt  }
0x71: {  	_ =	shalt  }
0x72: {  	_ =	shalt  }
0x73: {  	_ =	shalt  }
0x74: {  	_ =	shalt  }
0x75: {  	_ =	shalt  }
0x76: {  	_ =	shalt  }
0x77: {  	_ =	shalt  }
0x78: {  	_ =	shalt  }
0x79: {  	_ =	shalt  }
0x7a: {  	_ =	shalt  }
0x7b: {  	_ =	shalt  }
0x7c: {  	_ =	shalt  }
0x7d: {  	_ =	shalt  }
0x7e: {  	_ =	shalt  }
0x7f: {  	_ =	shalt  }
0x80: {  	_ =	shalt  }
0x81: {  	_ =	shalt  }
0x82: {  	_ =	shalt  }
0x83: {  	_ =	shalt  }
0x84: {  	_ =	shalt  }
0x85: {  	_ =	shalt  }
0x86: {  	_ =	shalt  }
0x87: {  	_ =	shalt  }
.Lfunc_end0:
.L_simem_size_0:
called_computation_lowered:
.L_overlay_start_0:
0x88: {  	s2 =	sld [smem:$0x3FD9]  }
0x89: {  	s3 =	sld [smem:$0x3FFE];
	_ =	sdelay $0x1  }
0x8a: {  	s1 =	srdreg.scid  }
0x8b: {  	s0 =	sand.u32 $0x1, s1  }
0x8c: {  	s17 =	sshll.u32 s0, $0xA;
	s2 =	sadd.s32 s3, s2  }
0x8d: {  	s2 =	sadd.s32 s2, s17  }
0x8e: {  	[smem:$0x3FC2] =	sst s2  }
0x8f: {  	_ = 	snop  }
0x90: {  	s2 =	sld [smem:$0x3FD0];
	(tm) =	ssettm $0x1  }
0x91: {  	s18 =	sld [smem:$0x3FFB];
	_ =	sdelay $0x3  }
0x92: {  	_ =	strace s18  }
0x93: {  	s3 =	sld [smem:$0x3FFC];
	_ =	sdelay $0x3  }
0x94: {  	_ =	strace s3  }
0x95: {  	s3 =	sld [smem:$0x3FFD];
	_ =	sdelay $0x3  }
0x96: {  	_ =	strace s3  }
0x97: {  	_ =	strace $0x8FFFFFFF  }
0x98: {  	s19 =	sld [smem:$0x3FDB];
	_ =	sdelay $0x1  }
0x99: {  	s4 =	simm.s32 $_scs_section_size  }
0x9a: {  	s5 =	simm.s32 $_size__tile_overlayer_lowered;
	s6 =	simm.s32 $_tile_overlayer_lowered  }
0x9b: {  	s22 =	simm.s32 $0x1BFF;
	s21 =	sshll.u32 s6, $0x1;
	s3 =	sadd.s32 s4, s19  }
0x9c: {  	s7 =	simm.s32 $0x0;
	s20 =	sshll.u32 s5, $0x1;
	s5 =	sadd.s32 s21, s3  }
0x9d: {  	[timem:s7], [sflag:s22] =	dma.local [hbm:s5], s20  }
0x9e: {  	_ =	swait.ge [sflag:s22], s20  }
0x9f: {  	s4 =	ssub.s32 $0x0, s20;
	[sflag:s22] =	ssyncset.done $0x0  }
0xa0: {  	[sflag:s22] =	ssyncadd.s32 s4;
	_ =	sdelay $0x1  }
0xa1: {  	s23 =	simm.s32 $0x1B8B  }
0xa2: {  	_ =	swait.ge [sflag:s23], $0x1  }
0xa3: {  	[sflag:s23] =	ssyncset.done $0x0  }
0xa4: {  	s25 =	simm.s32 $0x1B8E;
	s24 =	sld [smem:$0x3FFE];
	[sflag:s23] =	ssyncadd.s32 $0xFFFFFFFF  }
0xa5: {  	s26 =	simm.s32 $execute0_lowered;
	[smem:$0x3FD2] =	sst s25  }
0xa6: {  	s5 =	sshll.u32 s26, $0x1;
	_ =	strace $0x80000046;
	[dreg:$0x1] =	wrdreg $0xFFFFFFFF  }
0xa7: {  	s28 =	simm.s32 $_size_execute0_lowered;
	s3 =	sadd.s32 s3, s5;
	[dreg:$0x0] =	wrdreg $0x0  }
0xa8: {  	s5 =	sshll.u32 s28, $0x1;
	[dreg:$0x2] =	wrdreg s3  }
0xa9: {  	[dreg:$0x3] =	wrdreg s5  }
0xaa: {  	[dreg:$0x4] =	wrdreg $0xC0  }
0xab: {  	_ =	task [dreg:s7], $0x5FFFF  }
0xac: {  	[dreg:$0x1] =	wrdreg $0xFFFFFFFF  }
0xad: {  	[dreg:$0x0] =	wrdreg $0x60  }
0xae: {  	[dreg:$0x2] =	wrdreg s24  }
0xaf: {  	[dreg:$0x3] =	wrdreg s2  }
0xb0: {  	[dreg:$0x4] =	wrdreg $0x124000  }
0xb1: {  	[dreg:$0x5] =	wrdreg $0x1C0400  }
0xb2: {  	[dreg:$0x6] =	wrdreg $0x9  }
0xb3: {  	_ =	task.clear_ibuf [dreg:s7], $0x7FFFF;
	_ =	strace $0x90000046  }
0xb4: {  	s29 =	simm.s32 $0x9;
	_ =	strace $0x80000048  }
0xb5: {  	_ =	swait.ge [sflag:s29], $0x1  }
0xb6: {  	[sflag:s29] =	ssyncadd.s32 $0xFFFFFFFF  }
0xb7: {  	_ =	strace $0x90000048  }
0xb8: {  	_ =	sfence  }
0xb9: {  	s30 =	sld [smem:$0x0];
	_ =	sdelay $0x2  }
0xba: {  	s31 =	sshll.u32 s1, $0xD;
	s1 =	sshrl.u32 s1, $0x2  }
0xbb: {  	s3 =	sand.u32 $0x4000, s31;
	s1 =	sadd.s32 s1, s30  }
0xbc: {  	s0 =	sor.u32 s3, s0;
	s1 =	sshll.u32 s1, $0x11  }
0xbd: {  	s0 =	sor.u32 s1, s0  }
0xbe: {  	s0 =	sadd.s32 $0x8F2B, s0  }
0xbf: {  	[sflag:s0] =	ssyncadd.remote.s32 $0x1  }
0xc0: {  	_ =	sfence.sel $0xFFFF  }
0xc1: {  	[dreg:$0x0] =	wrdreg $0xFFFFFFFF;
	(pc) =	sbr.abs _section_cstart, $3  }
0xc2: {  	[dreg:$0x1] =	wrdreg $0xFFFFFFFF  }
0xc3: {  	_ =	task.clear_ibuf [dreg:s7], $0x2FFFF;
	_ =	strace $0x9FFFFFFF  }
0xc4: {  	(tm) =	ssettm $0x7FFFFFFF  }
0xc5: {  	_ =	shalt  }
tec
execute0_lowered:
.L_overlay_start_1:
0x0: {  	(tag) =	ssettag $0x1  }
0x1: {  	s0 =	rddreg [dreg:$0x0]  }
0x2: {  	s5 =	rddreg [dreg:$0x1]  }
0x3: {  	s1 =	rddreg [dreg:$0x2]  }
0x4: {  	s2 =	rddreg [dreg:$0x3];
	s3 =	simm.s32 $0x0  }
0x5: {  	s6 =	stileid.u32;
	s7 =	srdreg.scid;
	s28 =	simm.s32 $0x6400  }
0x6: {  	s29 =	simm.s32 $0x200;
	s30 =	simm.s32 $0x1400;
	s8 =	smul.u32 $0x9C00, s6  }
0x7: {  	s31 =	simm.s32 $0x300;
	[smem:$0x7FF] =	sst s3;
	s9 =	smul.u32 $0x2700, s6  }
0x8: {  	s10 =	sadd.s32 $0x1000, s0;
	s4 =	sadd.s32 $0x63200, s0;
	s13 =	sand.u32 $0x1, s7  }
0x9: {  	s14 =	sadd.s32 $0x2DA00, s0;
	s16 =	sadd.s32 $0x54C00, s0;
	s26 =	sshll.u32 s6, $0x6  }
0xa: {  	s18 =	sadd.s32 $0x9C000, s1;
	s19 =	smul.u32 $0xA000, s6;
	s20 =	sadd.s32 $0x2D800, s0  }
0xb: {  	s21 =	sadd.s32 $0x27000, s2;
	_ =	strace $0x80000047;
	[dreg:$0x9] =	wrdreg s18  }
0xc: {  	p0 =	sne.s32 s6, $0x0;
	s24 =	ssub.s32 $0x2, s13;
	[dreg:$0xa] =	wrdreg s20  }
0xd: {  	[dreg:$0xb] =	wrdreg s21;
	s21 =	smul.u32 $0x1400, s6;
	p1 =	seq.s32 s13, $0x0  }
0xe: {  	s6 =	simm.s32 $0x1;
	s11 =	sshrl.u32 s8, $0x3;
	s12 =	sshrl.u32 s9, $0x3  }
0xf: {  	s15 =	sshrl.u32 s24, $0x1;
	s25 =	sadd.s32 s8, s1;
	s17 =	sadd.s32 s9, s2  }
0x10: {  	s22 =	sadd.s32 s11, s0;
	s23 =	sadd.s32 s12, s0;
	[dreg:$0x5] =	wrdreg s25  }
0x11: {  	s12 =	ssub.s32 s24, s15;
	[dreg:$0x7] =	wrdreg s17;
	s0 =	sadd.s32 $0x19E00, s0  }
0x12: {  	s24 =	smul.u32 $0x27100, s13;
	s7 =	sadd.s32 $0x1A000, s22;
	s11 =	sadd.s32 $0x15000, s23  }
0x13: {  	s22 =	smul.u32 $0x9C400, s13;
	[dreg:$0xc] =	wrdreg s0;
	s23 =	sshrl.u32 s19, $0x3  }
0x14: {  	s13 =	simm.s32 $0x6;
	[dreg:$0x6] =	wrdreg s7;
	s7 =	sor.u32 $0x1C07, s26  }
0x15: {  	[dreg:$0x8] =	wrdreg s11;
	s17 =	sadd.s32 s10, s23;
	s18 =	sadd.s32 s9, s24  }
0x16: {  	s20 =	sshrl.u32 s24, $0x3;
	s24 =	smax.u32 s12, $0x1;
	s9 =	simm.s32 $0x3  }
0x17: {  	s11 =	simm.s32 $0x4;
	s12 =	simm.s32 $0x5;
	s25 =	sadd.s32 s8, s22  }
0x18: {  	s26 =	sshrl.u32 s22, $0x3;
	s19 =	sshrl.u32 s18, $0x3;
	[dreg:$0x12] =	wrdreg s24  }
0x19: {  	[dreg:$0xd] =	wrdreg s17;
	s24 =	simm.s32 $0x100;
	s15 =	sadd.s32 s5, s26  }
0x1a: {  	s0 =	sshrl.u32 s25, $0x3;
	s8 =	sadd.s32 s14, s26;
	s5 =	sadd.s32 s16, s20  }
0x1b: {  	s25 =	sadd.s32 $0x13C0, s17;
	s26 =	sadd.s32 s21, s10;
	s10 =	simm.s32 $0xE400  }
0x1c: {  	s17 =	simm.s32 $0x0;
	s0 =	sadd.s32 s14, s0;
	[dreg:$0x13] =	wrdreg s25  }
0x1d: {  	s22 =	sadd.s32 $0x13800, s8;
	s23 =	sadd.s32 $0x4E00, s5;
	[dreg:$0xe] =	wrdreg s0  }
0x1e: {  	s25 =	simm.s32 $0x400;
	s5 =	simm.s32 $0xA400;
	[dreg:$0x10] =	wrdreg s22  }
0x1f: {  	s8 =	simm.s32 $0x2;
	s0 =	sadd.s32 s16, s19;
	[dreg:$0x11] =	wrdreg s23  }
0x20: {  	s23 =	simm.s32 $0x7;
	[dreg:$0xf] =	wrdreg s0;
	s0 =	sadd.s32 $0x80, s26  }
0x21: {  	s26 =	simm.s32 $0x2400;
	[dreg:$0x14] =	wrdreg s0;
	s0 =	simm.s32 $0x3400  }
.LBB2_1:
0x22: {  	[dreg:$0x15] =	wrdreg s17  }
0x23: {  	s14 =	rddreg [dreg:$0x5]  }
0x24: {  	s21 =	rddreg [dreg:$0x6];
	s16 =	sshrl.u32 s14, $0x3  }
0x25: {  	[dreg:$0x16] =	wrdreg s16  }
0x26: {  	[spmem:s16], [sflag:s7] =	dma.local [hbm:s21], $0x1380  }
0x27: {  	_ =	swait.ge [sflag:s23], $0x1380  }
0x28: {  	s22 =	rddreg [dreg:$0x7]  }
0x29: {  	[sflag:s23] =	ssyncset.done $0x0;
	s17 =	rddreg [dreg:$0x8];
	s14 =	sshrl.u32 s22, $0x3  }
0x2a: {  	[sflag:s23] =	ssyncadd.s32 $0xFFFFEC80;
	[dreg:$0x17] =	wrdreg s14  }
0x2b: {  	[spmem:s14], [sflag:s7] =	dma.local [hbm:s17], $0x4E0  }
0x2c: {  	_ =	swait.ge [sflag:s23], $0x4E0  }
0x2d: {  	s14 =	rddreg [dreg:$0x9]  }
0x2e: {  	[sflag:s23] =	ssyncset.done $0x0;
	s16 =	sshrl.u32 @!p0 s14, $0x3;
	s14 =	rddreg [dreg:$0xa]  }
0x2f: {  	s17 =	simm.s32 @!p0 $0x7;
	[sflag:s23] =	ssyncadd.s32 $0xFFFFFB20;
	[dreg:$0x18] =	wrdreg s16  }
0x30: {  	[spmem:s16], [sflag:s7] =	dma.local @!p0 [hbm:s14], $0x80  }
0x31: {  	_ =	swait.ge @!p0 [sflag:s17], $0x80  }
0x32: {  	s14 =	rddreg [dreg:$0xb]  }
0x33: {  	[sflag:s17] =	ssyncset.done @!p0 $0x0;
	s16 =	sshrl.u32 @!p0 s14, $0x3;
	s14 =	rddreg [dreg:$0xc]  }
0x34: {  	[sflag:s17] =	ssyncadd.s32 @!p0 $0xFFFFFF80;
	[dreg:$0x19] =	wrdreg s16  }
0x35: {  	[spmem:s16], [sflag:s7] =	dma.local @!p0 [hbm:s14], $0x20  }
0x36: {  	_ =	swait.ge @!p0 [sflag:s17], $0x20  }
0x37: {  	[sflag:s17] =	ssyncset.done @!p0 $0x0  }
0x38: {  	[sflag:s17] =	ssyncadd.s32 @!p0 $0xFFFFFFE0  }
0x39: {  	[bflag:$0x0] =	sbarrier.arrive $0xFFFF  }
0x3a: {  	s18 =	rddreg [dreg:$0xd]  }
0x3b: {  	[tilespmem:s3], [sflag:$0x7] =	stream.linear.gather [hbm4b:s18+s3], $0x200, $0x38;
	[tilespmem:$0x1E750] =	vst v63  }
0x3c: {  	_ =	swait.ge [sflag:s23], $0x200  }
0x3d: {  	[sflag:s23] =	ssyncset.done $0x0  }
0x3e: {  	[sflag:s23] =	ssyncadd.s32 $0xFFFFFE00  }
0x3f: {  	[tilespmem:s25], [sflag:$0x1] =	stream.indirect.gather [hbm4b:s4+s24], $0x10, s3, s24, $0xb8;
	[tilespmem:$0x1E750] =	vst v63  }
0x40: {  	_ = 	snop  }
0x41: {  	[tilespmem:s26], [sflag:$0x2] =	stream.indirect.gather [hbm4b:s4+s24], $0x10, s24, s24, $0xb8;
	[tilespmem:$0x1E750] =	vst v63  }
0x42: {  	s19 =	rddreg [dreg:$0x14]  }
0x43: {  	[tilespmem:s28], [sflag:$0x3] =	stream.indirect.gather [hbm4b:s15+s24], $0x40, s24, s24, $0xb8;
	[tilespmem:$0x1E750] =	vst v63  }
0x44: {  	s22 =	sadd.s32 $0xFFFFFFC0, s19  }
0x45: {  	[tilespmem:s29], [sflag:$0x7] =	stream.linear.gather [hbm4b:s22+s3], $0x200, $0x38;
	[tilespmem:$0x1E750] =	vst v63  }
0x46: {  	_ =	swait.ge [sflag:s23], $0x200  }
0x47: {  	[sflag:s23] =	ssyncset.done $0x0  }
0x48: {  	[sflag:s23] =	ssyncadd.s32 $0xFFFFFE00  }
0x49: {  	[tilespmem:s30], [sflag:$0x4] =	stream.indirect.gather [hbm4b:s4+s24], $0x10, s29, s24, $0xb8;
	[tilespmem:$0x1E750] =	vst v63  }
0x4a: {  	_ = 	snop  }
0x4b: {  	[tilespmem:s0], [sflag:$0x5] =	stream.indirect.gather [hbm4b:s4+s24], $0x10, s31, s24, $0xb8;
	[tilespmem:$0x1E750] =	vst v63  }
0x4c: {  	_ = 	snop  }
0x4d: {  	[tilespmem:s5], [sflag:$0x6] =	stream.indirect.gather [hbm4b:s15+s24], $0x40, s31, s24, $0xb8;
	[tilespmem:$0x1E750] =	vst v63  }
0x4e: {  	_ =	swait.ge [sflag:s6], $0x1000  }
0x4f: {  	[sflag:s6] =	ssyncset.done $0x0  }
0x50: {  	[sflag:s6] =	ssyncadd.s32 $0xFFFFF000  }
0x51: {  	p2 =	por $0x0, $0x0;
	_ =	swait.ge [sflag:s8], $0x1000  }
0x52: {  	s20 =	simm.s32 $0x1;
	s17 =	simm.s32 $0x1;
	[sflag:s8] =	ssyncset.done $0x0  }
0x53: {  	s20 =	simm.s32 @!p1 $0x0;
	s17 =	simm.s32 @!p2 $0x0;
	[sflag:s8] =	ssyncadd.s32 $0xFFFFF000  }
0x54: {  	p3 =	seq.s32 s20, s17;
	_ =	swait.ge [sflag:s9], $0x4000  }
0x55: {  	s17 =	simm.s32 @!p3 $0x100;
	[sflag:s9] =	ssyncset.done $0x0  }
0x56: {  	s21 =	simm.s32 @!p3 $0x0;
	s22 =	simm.s32 @!p3 $0x4400;
	[sflag:s9] =	ssyncadd.s32 $0xFFFFC000  }
0x57: {  	[spmem:s2] =	stream.indirect.scatter.add.f32 @!p3 [tilespmem:s22], [sflag:$0x7], $0x10, s21, s17, $0xb8;
	[tilespmem:$0x1E750] =	vst v63  }
0x58: {  	s17 =	simm.s32 @!p3 $0x7  }
0x59: {  	_ =	swait.ge @!p3 [sflag:s17], $0x1000  }
0x5a: {  	[sflag:s17] =	ssyncset.done @!p3 $0x0  }
0x5b: {  	[sflag:s17] =	ssyncadd.s32 @!p3 $0xFFFFF000  }
0x5c: {  	[spmem:s1] =	stream.indirect.scatter.add.f32 [tilespmem:s10], [sflag:$0x7], $0x40, s3, s24, $0xb8;
	[tilespmem:$0x1E750] =	vst v63  }
0x5d: {  	_ =	swait.ge [sflag:s23], $0x4000  }
0x5e: {  	[sflag:s23] =	ssyncset.done $0x0  }
0x5f: {  	[sflag:s23] =	ssyncadd.s32 $0xFFFFC000  }
0x60: {  	[tilespmem:s3], [sflag:$0x7] =	stream.linear.gather [hbm4b:s19+s3], $0x200, $0x38;
	[tilespmem:$0x1E750] =	vst v63  }
0x61: {  	_ =	swait.ge [sflag:s23], $0x200  }
0x62: {  	[sflag:s23] =	ssyncset.done $0x0  }
0x63: {  	[sflag:s23] =	ssyncadd.s32 $0xFFFFFE00  }
0x64: {  	[tilespmem:s25], [sflag:$0x1] =	stream.indirect.gather [hbm4b:s4+s24], $0x10, s3, s24, $0xb8;
	[tilespmem:$0x1E750] =	vst v63  }
0x65: {  	_ = 	snop  }
0x66: {  	[tilespmem:s26], [sflag:$0x2] =	stream.indirect.gather [hbm4b:s4+s24], $0x10, s24, s24, $0xb8;
	[tilespmem:$0x1E750] =	vst v63  }
0x67: {  	_ = 	snop  }
0x68: {  	[tilespmem:s28], [sflag:$0x3] =	stream.indirect.gather [hbm4b:s15+s24], $0x40, s24, s24, $0xb8;
	[tilespmem:$0x1E750] =	vst v63  }
0x69: {  	_ =	swait.ge [sflag:s11], $0x1000  }
0x6a: {  	[sflag:s11] =	ssyncset.done $0x0  }
0x6b: {  	[sflag:s11] =	ssyncadd.s32 $0xFFFFF000  }
0x6c: {  	_ =	swait.ge [sflag:s12], $0x1000  }
0x6d: {  	[sflag:s12] =	ssyncset.done $0x0  }
0x6e: {  	p3 =	por !p2, !p2;
	[sflag:s12] =	ssyncadd.s32 $0xFFFFF000  }
0x6f: {  	p3 =	por @!p1 p2, p2;
	_ =	swait.ge [sflag:s13], $0x4000  }
0x70: {  	s17 =	simm.s32 @p3 $0x5400;
	[sflag:s13] =	ssyncset.done $0x0  }
0x71: {  	s21 =	simm.s32 @p3 $0x100;
	s22 =	simm.s32 @p3 $0x200;
	[sflag:s13] =	ssyncadd.s32 $0xFFFFC000  }
0x72: {  	[spmem:s2] =	stream.indirect.scatter.add.f32 @p3 [tilespmem:s17], [sflag:$0x7], $0x10, s22, s21, $0xb8;
	[tilespmem:$0x1E750] =	vst v63  }
0x73: {  	s17 =	simm.s32 @p3 $0x7  }
0x74: {  	_ =	swait.ge @p3 [sflag:s17], $0x1000  }
0x75: {  	[sflag:s17] =	ssyncset.done @p3 $0x0  }
0x76: {  	s22 =	simm.s32 $0x1;
	[sflag:s17] =	ssyncadd.s32 @p3 $0xFFFFF000  }
0x77: {  	[spmem:s1] =	stream.indirect.scatter.add.f32 [tilespmem:s10], [sflag:$0x7], $0x40, s29, s24, $0xb8;
	[tilespmem:$0x1E750] =	vst v63  }
0x78: {  	s21 =	sadd.s32 $0x80, s19;
	s17 =	simm.s32 $0x2;
	_ =	swait.ge [sflag:s23], $0x4000  }
.LBB2_2:
0x79: {  	s14 =	sadd.s32 $0xFFFFFFC0, s21  }
0x7a: {  	[sflag:s23] =	ssyncset.done $0x0;
	s18 =	smov.u32 s17;
	s17 =	sadd.s32 $0x1, s17  }
0x7b: {  	p2 =	sne.s32 s17, $0x27;
	[sflag:s23] =	ssyncadd.s32 $0xFFFFC000  }
0x7c: {  	[tilespmem:s29], [sflag:$0x7] =	stream.linear.gather [hbm4b:s14+s3], $0x200, $0x38;
	[tilespmem:$0x1E750] =	vst v63  }
0x7d: {  	_ =	swait.ge [sflag:s23], $0x200  }
0x7e: {  	[sflag:s23] =	ssyncset.done $0x0  }
0x7f: {  	[sflag:s23] =	ssyncadd.s32 $0xFFFFFE00  }
0x80: {  	[tilespmem:s30], [sflag:$0x4] =	stream.indirect.gather [hbm4b:s4+s24], $0x10, s29, s24, $0xb8;
	[tilespmem:$0x1E750] =	vst v63  }
0x81: {  	_ = 	snop  }
0x82: {  	[tilespmem:s0], [sflag:$0x5] =	stream.indirect.gather [hbm4b:s4+s24], $0x10, s31, s24, $0xb8;
	[tilespmem:$0x1E750] =	vst v63  }
0x83: {  	_ = 	snop  }
0x84: {  	[tilespmem:s5], [sflag:$0x6] =	stream.indirect.gather [hbm4b:s15+s24], $0x40, s31, s24, $0xb8;
	[tilespmem:$0x1E750] =	vst v63  }
0x85: {  	_ =	swait.ge [sflag:s6], $0x1000  }
0x86: {  	[sflag:s6] =	ssyncset.done $0x0  }
0x87: {  	[sflag:s6] =	ssyncadd.s32 $0xFFFFF000  }
0x88: {  	_ =	swait.ge [sflag:s8], $0x1000  }
0x89: {  	p4 =	sgt.u32 s22, $0x13;
	s14 =	simm.s32 $0x1;
	[sflag:s8] =	ssyncset.done $0x0  }
0x8a: {  	p3 =	por !p4, !p4;
	s14 =	simm.s32 @!p4 $0x0;
	[sflag:s8] =	ssyncadd.s32 $0xFFFFF000  }
0x8b: {  	s22 =	smov.u32 s18;
	p5 =	seq.s32 s20, s14;
	_ =	swait.ge [sflag:s9], $0x4000  }
0x8c: {  	s14 =	simm.s32 @!p5 $0x100;
	s18 =	simm.s32 @!p5 $0x0;
	[sflag:s9] =	ssyncset.done $0x0  }
0x8d: {  	s19 =	simm.s32 @!p5 $0x4400;
	s16 =	simm.s32 @!p5 $0x7;
	[sflag:s9] =	ssyncadd.s32 $0xFFFFC000  }
0x8e: {  	[spmem:s2] =	stream.indirect.scatter.add.f32 @!p5 [tilespmem:s19], [sflag:$0x7], $0x10, s18, s14, $0xb8;
	[tilespmem:$0x1E750] =	vst v63  }
0x8f: {  	_ =	swait.ge @!p5 [sflag:s16], $0x1000  }
0x90: {  	[sflag:s16] =	ssyncset.done @!p5 $0x0  }
0x91: {  	[sflag:s16] =	ssyncadd.s32 @!p5 $0xFFFFF000  }
0x92: {  	[spmem:s1] =	stream.indirect.scatter.add.f32 [tilespmem:s10], [sflag:$0x7], $0x40, s3, s24, $0xb8;
	[tilespmem:$0x1E750] =	vst v63  }
0x93: {  	_ =	swait.ge [sflag:s23], $0x4000  }
0x94: {  	[sflag:s23] =	ssyncset.done $0x0  }
0x95: {  	[sflag:s23] =	ssyncadd.s32 $0xFFFFC000  }
0x96: {  	[tilespmem:s3], [sflag:$0x7] =	stream.linear.gather [hbm4b:s21+s3], $0x200, $0x38;
	[tilespmem:$0x1E750] =	vst v63  }
0x97: {  	_ =	swait.ge [sflag:s23], $0x200  }
0x98: {  	[sflag:s23] =	ssyncset.done $0x0  }
0x99: {  	[sflag:s23] =	ssyncadd.s32 $0xFFFFFE00  }
0x9a: {  	[tilespmem:s25], [sflag:$0x1] =	stream.indirect.gather [hbm4b:s4+s24], $0x10, s3, s24, $0xb8;
	[tilespmem:$0x1E750] =	vst v63  }
0x9b: {  	_ = 	snop  }
0x9c: {  	[tilespmem:s26], [sflag:$0x2] =	stream.indirect.gather [hbm4b:s4+s24], $0x10, s24, s24, $0xb8;
	[tilespmem:$0x1E750] =	vst v63  }
0x9d: {  	_ = 	snop  }
0x9e: {  	[tilespmem:s28], [sflag:$0x3] =	stream.indirect.gather [hbm4b:s15+s24], $0x40, s24, s24, $0xb8;
	[tilespmem:$0x1E750] =	vst v63  }
0x9f: {  	_ =	swait.ge [sflag:s11], $0x1000  }
0xa0: {  	[sflag:s11] =	ssyncset.done $0x0  }
0xa1: {  	[sflag:s11] =	ssyncadd.s32 $0xFFFFF000  }
0xa2: {  	_ =	swait.ge [sflag:s12], $0x1000  }
0xa3: {  	[sflag:s12] =	ssyncset.done $0x0  }
0xa4: {  	p3 =	por @!p1 p4, p4;
	[sflag:s12] =	ssyncadd.s32 $0xFFFFF000  }
0xa5: {  	s14 =	simm.s32 @p3 $0x5400;
	_ =	swait.ge [sflag:s13], $0x4000  }
0xa6: {  	s18 =	simm.s32 @p3 $0x200;
	s16 =	simm.s32 @p3 $0x100;
	[sflag:s13] =	ssyncset.done $0x0  }
0xa7: {  	s19 =	simm.s32 @p3 $0x7;
	[sflag:s13] =	ssyncadd.s32 $0xFFFFC000  }
0xa8: {  	[spmem:s2] =	stream.indirect.scatter.add.f32 @p3 [tilespmem:s14], [sflag:$0x7], $0x10, s18, s16, $0xb8;
	[tilespmem:$0x1E750] =	vst v63  }
.Ltmp0:
0xa9: {  	_ =	swait.ge @p3 [sflag:s19], $0x1000;
	(pc) =	sbr.rel @p2 .LBB2_2-.Ltmp0, $4  }
0xaa: {  	[sflag:s19] =	ssyncset.done @p3 $0x0  }
0xab: {  	[sflag:s19] =	ssyncadd.s32 @p3 $0xFFFFF000  }
0xac: {  	[spmem:s1] =	stream.indirect.scatter.add.f32 [tilespmem:s10], [sflag:$0x7], $0x40, s29, s24, $0xb8;
	[tilespmem:$0x1E750] =	vst v63  }
0xad: {  	s21 =	sadd.s32 $0x80, s21;
	_ =	swait.ge [sflag:s23], $0x4000  }
0xae: {  	[sflag:s23] =	ssyncset.done $0x0  }
0xaf: {  	s14 =	sadd.s32 $0xFFFFFFC0, s21;
	[sflag:s23] =	ssyncadd.s32 $0xFFFFC000  }
0xb0: {  	[tilespmem:s29], [sflag:$0x7] =	stream.linear.gather [hbm4b:s14+s3], $0x200, $0x38;
	[tilespmem:$0x1E750] =	vst v63  }
0xb1: {  	_ =	swait.ge [sflag:s23], $0x200  }
0xb2: {  	[sflag:s23] =	ssyncset.done $0x0  }
0xb3: {  	[sflag:s23] =	ssyncadd.s32 $0xFFFFFE00  }
0xb4: {  	[tilespmem:s30], [sflag:$0x4] =	stream.indirect.gather [hbm4b:s4+s24], $0x10, s29, s24, $0xb8;
	[tilespmem:$0x1E750] =	vst v63  }
0xb5: {  	_ = 	snop  }
0xb6: {  	[tilespmem:s0], [sflag:$0x5] =	stream.indirect.gather [hbm4b:s4+s24], $0x10, s31, s24, $0xb8;
	[tilespmem:$0x1E750] =	vst v63  }
0xb7: {  	_ = 	snop  }
0xb8: {  	[tilespmem:s5], [sflag:$0x6] =	stream.indirect.gather [hbm4b:s15+s24], $0x40, s31, s24, $0xb8;
	[tilespmem:$0x1E750] =	vst v63  }
0xb9: {  	_ =	swait.ge [sflag:s6], $0x1000  }
0xba: {  	[sflag:s6] =	ssyncset.done $0x0  }
0xbb: {  	[sflag:s6] =	ssyncadd.s32 $0xFFFFF000  }
0xbc: {  	_ =	swait.ge [sflag:s8], $0x1000  }
0xbd: {  	p2 =	sgt.u32 s22, $0x13;
	s14 =	simm.s32 $0x1;
	[sflag:s8] =	ssyncset.done $0x0  }
0xbe: {  	s14 =	simm.s32 @!p2 $0x0;
	[sflag:s8] =	ssyncadd.s32 $0xFFFFF000  }
0xbf: {  	p3 =	seq.s32 s20, s14;
	_ =	swait.ge [sflag:s9], $0x4000  }
0xc0: {  	s14 =	simm.s32 @!p3 $0x100;
	[sflag:s9] =	ssyncset.done $0x0  }
0xc1: {  	s16 =	simm.s32 @!p3 $0x0;
	s17 =	simm.s32 @!p3 $0x4400;
	[sflag:s9] =	ssyncadd.s32 $0xFFFFC000  }
0xc2: {  	[spmem:s2] =	stream.indirect.scatter.add.f32 @!p3 [tilespmem:s17], [sflag:$0x7], $0x10, s16, s14, $0xb8;
	[tilespmem:$0x1E750] =	vst v63  }
0xc3: {  	s14 =	simm.s32 @!p3 $0x7  }
0xc4: {  	_ =	swait.ge @!p3 [sflag:s14], $0x1000  }
0xc5: {  	[sflag:s14] =	ssyncset.done @!p3 $0x0  }
0xc6: {  	[sflag:s14] =	ssyncadd.s32 @!p3 $0xFFFFF000  }
0xc7: {  	[spmem:s1] =	stream.indirect.scatter.add.f32 [tilespmem:s10], [sflag:$0x7], $0x40, s3, s24, $0xb8;
	[tilespmem:$0x1E750] =	vst v63  }
0xc8: {  	_ =	swait.ge [sflag:s23], $0x4000  }
0xc9: {  	[sflag:s23] =	ssyncset.done $0x0  }
0xca: {  	[sflag:s23] =	ssyncadd.s32 $0xFFFFC000  }
0xcb: {  	[tilespmem:s3], [sflag:$0x7] =	stream.linear.gather [hbm4b:s21+s3], $0x200, $0x38;
	[tilespmem:$0x1E750] =	vst v63  }
0xcc: {  	_ =	swait.ge [sflag:s23], $0x200  }
0xcd: {  	[sflag:s23] =	ssyncset.done $0x0  }
0xce: {  	[sflag:s23] =	ssyncadd.s32 $0xFFFFFE00  }
0xcf: {  	[tilespmem:s25], [sflag:$0x1] =	stream.indirect.gather [hbm4b:s4+s24], $0x10, s3, s24, $0xb8;
	[tilespmem:$0x1E750] =	vst v63  }
0xd0: {  	_ = 	snop  }
0xd1: {  	[tilespmem:s26], [sflag:$0x2] =	stream.indirect.gather [hbm4b:s4+s24], $0x10, s24, s24, $0xb8;
	[tilespmem:$0x1E750] =	vst v63  }
0xd2: {  	_ = 	snop  }
0xd3: {  	[tilespmem:s28], [sflag:$0x3] =	stream.indirect.gather [hbm4b:s15+s24], $0x40, s24, s24, $0xb8;
	[tilespmem:$0x1E750] =	vst v63  }
0xd4: {  	_ =	swait.ge [sflag:s11], $0x1000  }
0xd5: {  	[sflag:s11] =	ssyncset.done $0x0  }
0xd6: {  	[sflag:s11] =	ssyncadd.s32 $0xFFFFF000  }
0xd7: {  	_ =	swait.ge [sflag:s12], $0x1000  }
0xd8: {  	[sflag:s12] =	ssyncset.done $0x0  }
0xd9: {  	p3 =	por !p2, !p2;
	[sflag:s12] =	ssyncadd.s32 $0xFFFFF000  }
0xda: {  	p3 =	por @!p1 p2, p2;
	_ =	swait.ge [sflag:s13], $0x4000  }
0xdb: {  	s14 =	simm.s32 @p3 $0x5400;
	s16 =	simm.s32 @p3 $0x100;
	[sflag:s13] =	ssyncset.done $0x0  }
0xdc: {  	s17 =	simm.s32 @p3 $0x200;
	s18 =	simm.s32 @p3 $0x7;
	[sflag:s13] =	ssyncadd.s32 $0xFFFFC000  }
0xdd: {  	[spmem:s2] =	stream.indirect.scatter.add.f32 @p3 [tilespmem:s14], [sflag:$0x7], $0x10, s17, s16, $0xb8;
	[tilespmem:$0x1E750] =	vst v63  }
0xde: {  	_ =	swait.ge @p3 [sflag:s18], $0x1000  }
0xdf: {  	[sflag:s18] =	ssyncset.done @p3 $0x0  }
0xe0: {  	[sflag:s18] =	ssyncadd.s32 @p3 $0xFFFFF000  }
0xe1: {  	[spmem:s1] =	stream.indirect.scatter.add.f32 [tilespmem:s10], [sflag:$0x7], $0x40, s29, s24, $0xb8;
	[tilespmem:$0x1E750] =	vst v63  }
0xe2: {  	_ =	swait.ge [sflag:s23], $0x4000  }
0xe3: {  	[sflag:s23] =	ssyncset.done $0x0  }
0xe4: {  	s16 =	rddreg [dreg:$0x13];
	[sflag:s23] =	ssyncadd.s32 $0xFFFFC000  }
0xe5: {  	[tilespmem:s29], [sflag:$0x7] =	stream.linear.gather [hbm4b:s16+s3], $0x200, $0x38;
	[tilespmem:$0x1E750] =	vst v63  }
0xe6: {  	_ =	swait.ge [sflag:s23], $0x200  }
0xe7: {  	[sflag:s23] =	ssyncset.done $0x0  }
0xe8: {  	[sflag:s23] =	ssyncadd.s32 $0xFFFFFE00  }
0xe9: {  	[tilespmem:s30], [sflag:$0x4] =	stream.indirect.gather [hbm4b:s4+s24], $0x10, s29, s24, $0xb8;
	[tilespmem:$0x1E750] =	vst v63  }
0xea: {  	_ = 	snop  }
0xeb: {  	[tilespmem:s0], [sflag:$0x5] =	stream.indirect.gather [hbm4b:s4+s24], $0x10, s31, s24, $0xb8;
	[tilespmem:$0x1E750] =	vst v63  }
0xec: {  	_ = 	snop  }
0xed: {  	[tilespmem:s5], [sflag:$0x6] =	stream.indirect.gather [hbm4b:s15+s24], $0x40, s31, s24, $0xb8;
	[tilespmem:$0x1E750] =	vst v63  }
0xee: {  	_ =	swait.ge [sflag:s6], $0x1000  }
0xef: {  	[sflag:s6] =	ssyncset.done $0x0  }
0xf0: {  	[sflag:s6] =	ssyncadd.s32 $0xFFFFF000  }
0xf1: {  	_ =	swait.ge [sflag:s8], $0x1000  }
0xf2: {  	[sflag:s8] =	ssyncset.done $0x0  }
0xf3: {  	[sflag:s8] =	ssyncadd.s32 $0xFFFFF000  }
0xf4: {  	_ =	swait.ge [sflag:s9], $0x4000  }
0xf5: {  	s14 =	simm.s32 @!p1 $0x100;
	[sflag:s9] =	ssyncset.done $0x0  }
0xf6: {  	s17 =	simm.s32 @!p1 $0x4400;
	s16 =	simm.s32 @!p1 $0x0;
	[sflag:s9] =	ssyncadd.s32 $0xFFFFC000  }
0xf7: {  	[spmem:s2] =	stream.indirect.scatter.add.f32 @!p1 [tilespmem:s17], [sflag:$0x7], $0x10, s16, s14, $0xb8;
	[tilespmem:$0x1E750] =	vst v63  }
0xf8: {  	s16 =	simm.s32 @!p1 $0x7  }
0xf9: {  	_ =	swait.ge @!p1 [sflag:s16], $0x1000  }
0xfa: {  	[sflag:s16] =	ssyncset.done @!p1 $0x0  }
0xfb: {  	[sflag:s16] =	ssyncadd.s32 @!p1 $0xFFFFF000  }
0xfc: {  	[spmem:s1] =	stream.indirect.scatter.add.f32 [tilespmem:s10], [sflag:$0x7], $0x40, s3, s24, $0xb8;
	[tilespmem:$0x1E750] =	vst v63  }
0xfd: {  	_ =	swait.ge [sflag:s23], $0x4000  }
0xfe: {  	[sflag:s23] =	ssyncset.done $0x0  }
0xff: {  	[sflag:s23] =	ssyncadd.s32 $0xFFFFC000  }
0x100: {  	_ =	swait.ge [sflag:s11], $0x1000  }
0x101: {  	[sflag:s11] =	ssyncset.done $0x0  }
0x102: {  	[sflag:s11] =	ssyncadd.s32 $0xFFFFF000  }
0x103: {  	_ =	swait.ge [sflag:s12], $0x1000  }
0x104: {  	[sflag:s12] =	ssyncset.done $0x0  }
0x105: {  	[sflag:s12] =	ssyncadd.s32 $0xFFFFF000  }
0x106: {  	_ =	swait.ge [sflag:s13], $0x4000  }
0x107: {  	[sflag:s13] =	ssyncset.done $0x0  }
0x108: {  	s18 =	simm.s32 @!p1 $0x5400;
	s17 =	simm.s32 @!p1 $0x200;
	[sflag:s13] =	ssyncadd.s32 $0xFFFFC000  }
0x109: {  	[spmem:s2] =	stream.indirect.scatter.add.f32 @!p1 [tilespmem:s18], [sflag:$0x7], $0x10, s17, s14, $0xb8;
	[tilespmem:$0x1E750] =	vst v63  }
0x10a: {  	_ =	swait.ge @!p1 [sflag:s16], $0x1000  }
0x10b: {  	[sflag:s16] =	ssyncset.done @!p1 $0x0  }
0x10c: {  	[sflag:s16] =	ssyncadd.s32 @!p1 $0xFFFFF000  }
0x10d: {  	[spmem:s1] =	stream.indirect.scatter.add.f32 [tilespmem:s10], [sflag:$0x7], $0x40, s29, s24, $0xb8;
	[tilespmem:$0x1E750] =	vst v63  }
0x10e: {  	_ =	swait.ge [sflag:s23], $0x4000  }
0x10f: {  	[sflag:s23] =	ssyncset.done $0x0  }
0x110: {  	[sflag:s23] =	ssyncadd.s32 $0xFFFFC000  }
0x111: {  	[bflag:$0x0] =	sbarrier.arrive $0xFFFF  }
0x112: {  	s17 =	rddreg [dreg:$0xe]  }
0x113: {  	s18 =	rddreg [dreg:$0x16]  }
0x114: {  	[hbm:s17], [sflag:s7] =	dma.local [spmem:s18], $0x1380  }
0x115: {  	_ =	swait.ge [sflag:s23], $0x1380  }
0x116: {  	[sflag:s23] =	ssyncset.done $0x0;
	s19 =	rddreg [dreg:$0xf]  }
0x117: {  	s20 =	rddreg [dreg:$0x17];
	[sflag:s23] =	ssyncadd.s32 $0xFFFFEC80  }
0x118: {  	[hbm:s19], [sflag:s7] =	dma.local [spmem:s20], $0x4E0  }
0x119: {  	_ =	swait.ge [sflag:s23], $0x4E0  }
0x11a: {  	[sflag:s23] =	ssyncset.done $0x0;
	s14 =	rddreg [dreg:$0x10]  }
0x11b: {  	s16 =	rddreg [dreg:$0x18];
	[sflag:s23] =	ssyncadd.s32 $0xFFFFFB20  }
0x11c: {  	[hbm:s14], [sflag:s7] =	dma.local @!p0 [spmem:s16], $0x80  }
0x11d: {  	s14 =	simm.s32 @!p0 $0x7  }
0x11e: {  	_ =	swait.ge @!p0 [sflag:s14], $0x80  }
0x11f: {  	[sflag:s14] =	ssyncset.done @!p0 $0x0;
	s16 =	rddreg [dreg:$0x11]  }
0x120: {  	s17 =	rddreg [dreg:$0x19];
	[sflag:s14] =	ssyncadd.s32 @!p0 $0xFFFFFF80  }
0x121: {  	[hbm:s16], [sflag:s7] =	dma.local @!p0 [spmem:s17], $0x20  }
0x122: {  	_ =	swait.ge @!p0 [sflag:s14], $0x20  }
0x123: {  	s21 =	rddreg [dreg:$0x15]  }
0x124: {  	s22 =	rddreg [dreg:$0x12];
	s17 =	sadd.s32 $0x1, s21  }
0x125: {  	p2 =	sne.s32 s17, s22  }
.Ltmp1:
0x126: {  	_ = 	snop;
	(pc) =	sbr.rel @p2 .LBB2_1-.Ltmp1, $3  }
0x127: {  	_ =	sdelay $0x1  }
0x128: {  	[sflag:s14] =	ssyncset.done @!p0 $0x0  }
0x129: {  	[sflag:s14] =	ssyncadd.s32 @!p0 $0xFFFFFFE0  }
0x12a: {  	_ =	sfence.sel $0x180000  }
0x12b: {  	[bflag:$0x0] =	sbarrier.arrive $0xFFFF  }
0x12c: {  	_ =	strace $0x90000047  }
0x12d: {  	[bflag:$0x2] =	sbarrier.arrive $0xFFFF  }
0x12e: {  	s0 =	rddreg [dreg:$0x4]  }
0x12f: {  	s0 =	sadd.s32 @!p0 $0x100000, s0  }
0x130: {  	[sflag:s0] =	ssyncadd.tile.s32 @!p0 $0x1;
	_ =	shalt  }
.Lfunc_end2:
_tile_overlayer_lowered:
.L_overlay_start_2:
0x131: {  	(tag) =	ssettag $0x2  }
0x132: {  	s0 =	rddreg [dreg:$0x0];
	s2 =	stileid.u32  }
0x133: {  	s1 =	rddreg [dreg:$0x1];
	p0 =	sne.s32 s2, $0x0  }
0x134: {  	s3 =	rddreg [dreg:$0x2];
	[bflag:$0x3] =	sbarrier.arrive $0xFFFF;
	s2 =	simm.s32 @!p0 $0x1C07  }
0x135: {  	[timem:s3], [sflag:s2] =	dma.local @!p0 [hbm:s0], s1  }
0x136: {  	s0 =	simm.s32 @!p0 $0x7  }
0x137: {  	_ =	swait.ge @!p0 [sflag:s0], s1  }
0x138: {  	s1 =	ssub.s32 @!p0 $0x0, s1;
	[sflag:s0] =	ssyncset.done @!p0 $0x0  }
0x139: {  	[sflag:s0] =	ssyncadd.s32 @!p0 s1  }
0x13a: {  	[bflag:$0x3] =	sbarrier.arrive $0xFFFF  }
0x13b: {  	_ =	shalt  }

</sc_bundles>
